<compile_context>
chip_gen: v7x
topology: tpu7x:2x2x1
jax: 0.10.2.dev20260603
libtpu: 0.0.44.dev20260713+nightly
codegen_flags: <defaults>
</compile_context>

<pallas_src>
import jax
import jax.numpy as jnp
from jax import lax
from jax.experimental import pallas as pl
from jax.experimental.pallas import tpu as pltpu
from jax.experimental.pallas import tpu_sc as plsc

N_NODES = 10000
D_FEAT = 128
N_EDGES = 320000

NUM_CORES = 2
NUM_SUBCORES = 16
NUM_WORKERS = NUM_CORES * NUM_SUBCORES

CHUNK = 128
K = 80
H = K // 2
EDGES_PER_WORKER = K * CHUNK
E_PAD = EDGES_PER_WORKER * NUM_WORKERS

ACC_ROWS = 10112
TRASH_ROW = N_NODES
ROWS_PER_TILE = ACC_ROWS // NUM_SUBCORES


def _sc_agg_body(x_hbm, src_hbm, dst_hbm, part_hbm, acc,
                 src_all, dst_all, rows, sem0, sem1):
    c = lax.axis_index("c")
    s = lax.axis_index("s")
    w = c * NUM_SUBCORES + s
    sems = (sem0, sem1)

    _ns = jax.named_scope
    zeros16 = jnp.zeros((16,), jnp.float32)

    def _zero_body(r, _):
        for col in range(D_FEAT // 16):
            rows[0, r, pl.ds(col * 16, 16)] = zeros16
        return 0

    with _ns("zero_vst"):
        lax.fori_loop(0, CHUNK, _zero_body, 0)
    for k in range(ROWS_PER_TILE // CHUNK):
        pltpu.sync_copy(rows.at[0], acc.at[pl.ds(s * ROWS_PER_TILE + k * CHUNK, CHUNK)])
    _rem = ROWS_PER_TILE % CHUNK
    if _rem:
        pltpu.sync_copy(
            rows.at[0, pl.ds(0, _rem)],
            acc.at[pl.ds(s * ROWS_PER_TILE + (ROWS_PER_TILE // CHUNK) * CHUNK, _rem)],
        )
    with _ns("zero_barrier"):
        plsc.subcore_barrier()

    for h in range(2):
        pltpu.sync_copy(src_hbm.at[w, pl.ds(h * H, H)], src_all)
        pltpu.sync_copy(dst_hbm.at[w, pl.ds(h * H, H)], dst_all)
        for b in range(2):
            pltpu.async_copy(x_hbm.at[src_all.at[b]], rows.at[b], sems[b])

        def _pair_body(p, _):
            j0 = p * 2
            for b in range(2):
                j = j0 + b
                pltpu.make_async_copy(x_hbm.at[src_all.at[j]], rows.at[b], sems[b]).wait()
                pltpu.sync_copy(rows.at[b], acc.at[dst_all.at[j]], add=True)

                @pl.when(j + 2 < H)
                def _():
                    pltpu.async_copy(x_hbm.at[src_all.at[j + 2]], rows.at[b], sems[b])
            return 0

        with _ns("edges_half%d" % h):
            lax.fori_loop(0, H // 2, _pair_body, 0)
    with _ns("edge_barrier"):
        plsc.subcore_barrier()

    with _ns("dump"):
        pltpu.sync_copy(
            acc.at[pl.ds(s * ROWS_PER_TILE, ROWS_PER_TILE)],
            part_hbm.at[c, pl.ds(s * ROWS_PER_TILE, ROWS_PER_TILE)],
        )


@jax.jit
def _sc_aggregate(x, src, dst):
    mesh = plsc.VectorSubcoreMesh(core_axis_name="c", subcore_axis_name="s")
    return pl.kernel(
        _sc_agg_body,
        out_type=jax.ShapeDtypeStruct((NUM_CORES, ACC_ROWS, D_FEAT), jnp.float32),
        mesh=mesh,
        scratch_types=[
            pltpu.VMEM_SHARED((ACC_ROWS, D_FEAT), jnp.float32),
            pltpu.VMEM((H, CHUNK), jnp.int32),
            pltpu.VMEM((H, CHUNK), jnp.int32),
            pltpu.VMEM((2, CHUNK, D_FEAT), jnp.float32),
            pltpu.SemaphoreType.DMA,
            pltpu.SemaphoreType.DMA,
        ],
    )(x, src, dst)


def _mlp_body(part_ref, x_ref, scale_ref, w1_ref, b1_ref, w2_ref, b2_ref, out_ref):
    scale = scale_ref[0, 0]
    y = part_ref[0] + part_ref[1] + scale * x_ref[...]
    h = jnp.dot(y, w1_ref[...], preferred_element_type=jnp.float32) + b1_ref[...]
    h = jnp.maximum(h, 0.0)
    out_ref[...] = jnp.dot(h, w2_ref[...], preferred_element_type=jnp.float32) + b2_ref[...]


@jax.jit
def _mlp(part, x, scale, W1, b1, W2, b2):
    br = 1000
    grid = (N_NODES // br,)
    return pl.pallas_call(
        _mlp_body,
        grid=grid,
        in_specs=[
            pl.BlockSpec((NUM_CORES, br, D_FEAT), lambda i: (0, i, 0)),
            pl.BlockSpec((br, D_FEAT), lambda i: (i, 0)),
            pl.BlockSpec(memory_space=pltpu.SMEM),
            pl.BlockSpec((D_FEAT, D_FEAT), lambda i: (0, 0)),
            pl.BlockSpec((1, D_FEAT), lambda i: (0, 0)),
            pl.BlockSpec((D_FEAT, D_FEAT), lambda i: (0, 0)),
            pl.BlockSpec((1, D_FEAT), lambda i: (0, 0)),
        ],
        out_specs=pl.BlockSpec((br, D_FEAT), lambda i: (i, 0)),
        out_shape=jax.ShapeDtypeStruct((N_NODES, D_FEAT), jnp.float32),
    )(part, x, scale, W1, b1, W2, b2)


def kernel(x, edge_index, eps, W1, b1, W2, b2):
    src = edge_index[0].astype(jnp.int32)
    dst = edge_index[1].astype(jnp.int32)
    pad = E_PAD - N_EDGES
    pad_src = jnp.arange(pad, dtype=jnp.int32) % N_NODES
    pad_dst = TRASH_ROW + jnp.arange(pad, dtype=jnp.int32) % (ACC_ROWS - N_NODES)
    src = jnp.concatenate([src, pad_src]).reshape(NUM_WORKERS, K, CHUNK)
    dst = jnp.concatenate([dst, pad_dst]).reshape(NUM_WORKERS, K, CHUNK)
    part = _sc_aggregate(x, src, dst)
    scale = (1.0 + eps).reshape(1, 1)
    return _mlp(part, x, scale, W1, b1.reshape(1, D_FEAT), W2, b2.reshape(1, D_FEAT))

# --- scband reference (transcript-rebuilt; emitter-appended) ---
"""Pipeline reference for scband-cbmgininference-26087631356379 (READ-ONLY COPY).

The authoritative reference and input builder live on the scoring server;
editing this copy changes nothing except your own understanding.
"""

import jax, jax.numpy as jnp
import numpy as np

N_NODES = 10000
D_FEAT = 128
N_EDGES = 320000


def setup_inputs(seed: int = 0) -> dict:
    key = jax.random.key(seed)
    k1, k2, k3, k4, k5, k6 = jax.random.split(key, 6)
    x = jax.random.normal(k1, (N_NODES, D_FEAT), dtype=jnp.float32)
    edge_index = jax.random.randint(k2, (2, N_EDGES), 0, N_NODES, dtype=jnp.int64)
    # eps parameter (train_eps=True), initialized to initial_eps=0.0
    eps = jnp.zeros((1,), dtype=jnp.float32)
    # nn: MLP Linear(128->128) -> ReLU -> Linear(128->128), Kaiming-ish init
    scale = 1.0 / np.sqrt(D_FEAT)
    W1 = jax.random.uniform(k3, (D_FEAT, D_FEAT), dtype=jnp.float32, minval=-scale, maxval=scale)
    b1 = jax.random.uniform(k4, (D_FEAT,), dtype=jnp.float32, minval=-scale, maxval=scale)
    W2 = jax.random.uniform(k5, (D_FEAT, D_FEAT), dtype=jnp.float32, minval=-scale, maxval=scale)
    b2 = jax.random.uniform(k6, (D_FEAT,), dtype=jnp.float32, minval=-scale, maxval=scale)
    return {"x": x, "edge_index": edge_index, "eps": eps, "W1": W1, "b1": b1, "W2": W2, "b2": b2}


def reference(x, edge_index, eps, W1, b1, W2, b2):
    # a.matmul_add(x, y, eps): y = A @ x + (1 + eps) * x  (GIN aggregation)
    src = edge_index[0]
    dst = edge_index[1]
    msgs = jnp.take(x, src, axis=0)            # gather neighbor features
    agg = jax.ops.segment_sum(msgs, dst, num_segments=x.shape[0])  # scatter-add
    y = agg + (1.0 + eps) * x
    # out = nn(y): MLP
    h = jnp.maximum(y @ W1 + b1, 0.0)
    out = h @ W2 + b2
    return out

if __name__ == "__main__":
    import jax
    _d = setup_inputs()
    print(jax.jit(kernel)(*tuple(_d.values())))

</pallas_src>

<mosaic_0001>
#map = affine_map<(d0, d1) -> (0, 0)>
#map1 = affine_map<(d0, d1) -> (0, 0, 0)>
module attributes {stable_mosaic.version = 14 : i64} {
  func.func @_sc_agg_body(%arg0: i32, %arg1: i32, %arg2: memref<10000x128xf32, #tpu.memory_space<hbm>>, %arg3: memref<32x80x128xi32, #tpu.memory_space<hbm>>, %arg4: memref<32x80x128xi32, #tpu.memory_space<hbm>>, %arg5: memref<2x10112x128xf32, #tpu.memory_space<hbm>>, %arg6: memref<10112x128xf32, #tpu.memory_space<vmem_shared>>, %arg7: memref<40x128xi32, #tpu.memory_space<vmem>>, %arg8: memref<40x128xi32, #tpu.memory_space<vmem>>, %arg9: memref<2x128x128xf32, #tpu.memory_space<vmem>>, %arg10: memref<!tpu.dma_semaphore, #tpu.memory_space<semaphore_mem>>, %arg11: memref<!tpu.dma_semaphore, #tpu.memory_space<semaphore_mem>>) attributes {dimension_semantics = [#tpu.dimension_semantics<core_parallel>, #tpu.dimension_semantics<subcore_parallel>], iteration_bounds = array<i64: 2, 16>, scalar_prefetch = 0 : i64, scratch_operands = 6 : i64, tpu.core_type = #tpu.core_type<sc_vector_subcore>, window_params = [{transform_indices = #map}, {transform_indices = #map1}, {transform_indices = #map1}, {transform_indices = #map1}]} {
    %mul3A = arith.constant 16 : i32
    %mul3A_0 = arith.muli %arg0, %mul3A : i32
    %add3A = arith.addi %mul3A_0, %arg1 : i32
    %broadcast_in_dim3A = arith.constant 0.000000e+00 : f32
    %broadcast_in_dim3A_1 = vector.broadcast %broadcast_in_dim3A : f32 to vector<16xf32>
    "tpu.trace_start"() <{level = 10 : i32, message = "zero_vst"}> : () -> ()
    %scan3A = arith.constant 0 : i32
    %scan3A_2 = arith.constant 0 : i32
    %scan3A_3 = arith.constant 128 : i32
    %scan3A_4 = arith.addi %scan3A_2, %scan3A_3 : i32
    %scan3A_5 = arith.constant 1 : i32
    %scan3A_6 = scf.for %scan3A_98 = %scan3A_2 to %scan3A_4 step %scan3A_5 iter_args(%scan3A_99 = %scan3A) -> (i32)  : i32 {
      %swap3A = arith.constant 0 : i32
      %swap3A_100 = arith.index_cast %swap3A : i32 to index
      %swap3A_101 = arith.index_cast %scan3A_98 : i32 to index
      %swap3A_102 = arith.constant 0 : index
      %swap3A_103 = tpu.vector_load %arg9[%swap3A_100, %swap3A_101, %swap3A_102] {strides = array<i32>} : memref<2x128x128xf32, #tpu.memory_space<vmem>>, vector<1x1x16xf32>,
      %swap3A_104 = vector.shape_cast %swap3A_103 : vector<1x1x16xf32> to vector<16xf32>
      %swap3A_105 = vector.shape_cast %broadcast_in_dim3A_1 : vector<16xf32> to vector<1x1x16xf32>
      tpu.vector_store %arg9[%swap3A_100, %swap3A_101, %swap3A_102], %swap3A_105 {strides = array<i32>} : memref<2x128x128xf32, #tpu.memory_space<vmem>>, vector<1x1x16xf32>,
      %swap3A_106 = arith.constant 0 : i32
      %swap3A_107 = arith.index_cast %swap3A_106 : i32 to index
      %swap3A_108 = arith.index_cast %scan3A_98 : i32 to index
      %swap3A_109 = arith.constant 16 : index
      %swap3A_110 = tpu.vector_load %arg9[%swap3A_107, %swap3A_108, %swap3A_109] {strides = array<i32>} : memref<2x128x128xf32, #tpu.memory_space<vmem>>, vector<1x1x16xf32>,
      %swap3A_111 = vector.shape_cast %swap3A_110 : vector<1x1x16xf32> to vector<16xf32>
      %swap3A_112 = vector.shape_cast %broadcast_in_dim3A_1 : vector<16xf32> to vector<1x1x16xf32>
      tpu.vector_store %arg9[%swap3A_107, %swap3A_108, %swap3A_109], %swap3A_112 {strides = array<i32>} : memref<2x128x128xf32, #tpu.memory_space<vmem>>, vector<1x1x16xf32>,
      %swap3A_113 = arith.constant 0 : i32
      %swap3A_114 = arith.index_cast %swap3A_113 : i32 to index
      %swap3A_115 = arith.index_cast %scan3A_98 : i32 to index
      %swap3A_116 = arith.constant 32 : index
      %swap3A_117 = tpu.vector_load %arg9[%swap3A_114, %swap3A_115, %swap3A_116] {strides = array<i32>} : memref<2x128x128xf32, #tpu.memory_space<vmem>>, vector<1x1x16xf32>,
      %swap3A_118 = vector.shape_cast %swap3A_117 : vector<1x1x16xf32> to vector<16xf32>
      %swap3A_119 = vector.shape_cast %broadcast_in_dim3A_1 : vector<16xf32> to vector<1x1x16xf32>
      tpu.vector_store %arg9[%swap3A_114, %swap3A_115, %swap3A_116], %swap3A_119 {strides = array<i32>} : memref<2x128x128xf32, #tpu.memory_space<vmem>>, vector<1x1x16xf32>,
      %swap3A_120 = arith.constant 0 : i32
      %swap3A_121 = arith.index_cast %swap3A_120 : i32 to index
      %swap3A_122 = arith.index_cast %scan3A_98 : i32 to index
      %swap3A_123 = arith.constant 48 : index
      %swap3A_124 = tpu.vector_load %arg9[%swap3A_121, %swap3A_122, %swap3A_123] {strides = array<i32>} : memref<2x128x128xf32, #tpu.memory_space<vmem>>, vector<1x1x16xf32>,
      %swap3A_125 = vector.shape_cast %swap3A_124 : vector<1x1x16xf32> to vector<16xf32>
      %swap3A_126 = vector.shape_cast %broadcast_in_dim3A_1 : vector<16xf32> to vector<1x1x16xf32>
      tpu.vector_store %arg9[%swap3A_121, %swap3A_122, %swap3A_123], %swap3A_126 {strides = array<i32>} : memref<2x128x128xf32, #tpu.memory_space<vmem>>, vector<1x1x16xf32>,
      %swap3A_127 = arith.constant 0 : i32
      %swap3A_128 = arith.index_cast %swap3A_127 : i32 to index
      %swap3A_129 = arith.index_cast %scan3A_98 : i32 to index
      %swap3A_130 = arith.constant 64 : index
      %swap3A_131 = tpu.vector_load %arg9[%swap3A_128, %swap3A_129, %swap3A_130] {strides = array<i32>} : memref<2x128x128xf32, #tpu.memory_space<vmem>>, vector<1x1x16xf32>,
      %swap3A_132 = vector.shape_cast %swap3A_131 : vector<1x1x16xf32> to vector<16xf32>
      %swap3A_133 = vector.shape_cast %broadcast_in_dim3A_1 : vector<16xf32> to vector<1x1x16xf32>
      tpu.vector_store %arg9[%swap3A_128, %swap3A_129, %swap3A_130], %swap3A_133 {strides = array<i32>} : memref<2x128x128xf32, #tpu.memory_space<vmem>>, vector<1x1x16xf32>,
      %swap3A_134 = arith.constant 0 : i32
      %swap3A_135 = arith.index_cast %swap3A_134 : i32 to index
      %swap3A_136 = arith.index_cast %scan3A_98 : i32 to index
      %swap3A_137 = arith.constant 80 : index
      %swap3A_138 = tpu.vector_load %arg9[%swap3A_135, %swap3A_136, %swap3A_137] {strides = array<i32>} : memref<2x128x128xf32, #tpu.memory_space<vmem>>, vector<1x1x16xf32>,
      %swap3A_139 = vector.shape_cast %swap3A_138 : vector<1x1x16xf32> to vector<16xf32>
      %swap3A_140 = vector.shape_cast %broadcast_in_dim3A_1 : vector<16xf32> to vector<1x1x16xf32>
      tpu.vector_store %arg9[%swap3A_135, %swap3A_136, %swap3A_137], %swap3A_140 {strides = array<i32>} : memref<2x128x128xf32, #tpu.memory_space<vmem>>, vector<1x1x16xf32>,
      %swap3A_141 = arith.constant 0 : i32
      %swap3A_142 = arith.index_cast %swap3A_141 : i32 to index
      %swap3A_143 = arith.index_cast %scan3A_98 : i32 to index
      %swap3A_144 = arith.constant 96 : index
      %swap3A_145 = tpu.vector_load %arg9[%swap3A_142, %swap3A_143, %swap3A_144] {strides = array<i32>} : memref<2x128x128xf32, #tpu.memory_space<vmem>>, vector<1x1x16xf32>,
      %swap3A_146 = vector.shape_cast %swap3A_145 : vector<1x1x16xf32> to vector<16xf32>
      %swap3A_147 = vector.shape_cast %broadcast_in_dim3A_1 : vector<16xf32> to vector<1x1x16xf32>
      tpu.vector_store %arg9[%swap3A_142, %swap3A_143, %swap3A_144], %swap3A_147 {strides = array<i32>} : memref<2x128x128xf32, #tpu.memory_space<vmem>>, vector<1x1x16xf32>,
      %swap3A_148 = arith.constant 0 : i32
      %swap3A_149 = arith.index_cast %swap3A_148 : i32 to index
      %swap3A_150 = arith.index_cast %scan3A_98 : i32 to index
      %swap3A_151 = arith.constant 112 : index
      %swap3A_152 = tpu.vector_load %arg9[%swap3A_149, %swap3A_150, %swap3A_151] {strides = array<i32>} : memref<2x128x128xf32, #tpu.memory_space<vmem>>, vector<1x1x16xf32>,
      %swap3A_153 = vector.shape_cast %swap3A_152 : vector<1x1x16xf32> to vector<16xf32>
      %swap3A_154 = vector.shape_cast %broadcast_in_dim3A_1 : vector<16xf32> to vector<1x1x16xf32>
      tpu.vector_store %arg9[%swap3A_149, %swap3A_150, %swap3A_151], %swap3A_154 {strides = array<i32>} : memref<2x128x128xf32, #tpu.memory_space<vmem>>, vector<1x1x16xf32>,
      %scan3A_155 = arith.constant 0 : i32
      scf.yield %scan3A_155 : i32
    }
    %scan3A_7 = arith.constant 128 : i32
    "tpu.trace_stop"() : () -> ()
    %mul3A_8 = arith.constant 632 : i32
    %mul3A_9 = arith.muli %arg1, %mul3A_8 : i32
    %add3A_10 = arith.constant 0 : i32
    %add3A_11 = arith.addi %mul3A_9, %add3A_10 : i32
    %run_scoped3A = arith.constant 0 : i32
    "tpu.region"() ({
      %run_scoped3A_98 = tpu.sem_alloc : memref<!tpu.dma_semaphore, #tpu.memory_space<semaphore_mem>>
      %dma_start3A_99 = arith.constant 0 : i32
      %dma_start3A_100 = arith.constant 0 : i32
      %dma_start3A_101 = tpu.memref_slice %arg9[%run_scoped3A, %dma_start3A_99, %dma_start3A_100] : memref<2x128x128xf32, #tpu.memory_space<vmem>> -> memref<1x128x128xf32, #tpu.memory_space<vmem>>
      %dma_start3A_102 = tpu.memref_squeeze %dma_start3A_101 : memref<1x128x128xf32, #tpu.memory_space<vmem>> -> memref<128x128xf32, #tpu.memory_space<vmem>>
      %dma_start3A_103 = arith.constant 0 : i32
      %dma_start3A_104 = tpu.memref_slice %arg6[%add3A_11, %dma_start3A_103] : memref<10112x128xf32, #tpu.memory_space<vmem_shared>> -> memref<128x128xf32, #tpu.memory_space<vmem_shared>>
      %dma_start3A_105 = arith.constant 0 : i32
      %dma_start3A_106 = tpu.memref_slice %arg6[%add3A_11, %dma_start3A_105] : memref<10112x128xf32, #tpu.memory_space<vmem_shared>> -> memref<128x128xf32, #tpu.memory_space<vmem_shared>>
      %dma_start3A_107 = arith.constant 0 : i32
      %dma_start3A_108 = arith.constant 0 : i32
      %dma_start3A_109 = tpu.memref_slice %arg9[%run_scoped3A, %dma_start3A_107, %dma_start3A_108] : memref<2x128x128xf32, #tpu.memory_space<vmem>> -> memref<1x128x128xf32, #tpu.memory_space<vmem>>
      %dma_start3A_110 = tpu.memref_squeeze %dma_start3A_109 : memref<1x128x128xf32, #tpu.memory_space<vmem>> -> memref<128x128xf32, #tpu.memory_space<vmem>>
      tpu.enqueue_dma source(%dma_start3A_110 : memref<128x128xf32, #tpu.memory_space<vmem>>) target(%dma_start3A_106 : memref<128x128xf32, #tpu.memory_space<vmem_shared>>) target_semaphore(%run_scoped3A_98 : memref<!tpu.dma_semaphore, #tpu.memory_space<semaphore_mem>>)
      %dma_wait3A = arith.constant 0 : i32
      %dma_wait3A_111 = arith.constant 0 : i32
      %dma_wait3A_112 = tpu.memref_slice %arg9[%run_scoped3A, %dma_wait3A, %dma_wait3A_111] : memref<2x128x128xf32, #tpu.memory_space<vmem>> -> memref<1x128x128xf32, #tpu.memory_space<vmem>>
      %dma_wait3A_113 = tpu.memref_squeeze %dma_wait3A_112 : memref<1x128x128xf32, #tpu.memory_space<vmem>> -> memref<128x128xf32, #tpu.memory_space<vmem>>
      %dma_wait3A_114 = arith.constant 0 : i32
      %dma_wait3A_115 = tpu.memref_slice %arg6[%add3A_11, %dma_wait3A_114] : memref<10112x128xf32, #tpu.memory_space<vmem_shared>> -> memref<128x128xf32, #tpu.memory_space<vmem_shared>>
      %dma_wait3A_116 = arith.constant 0 : i32
      %dma_wait3A_117 = tpu.memref_slice %arg6[%add3A_11, %dma_wait3A_116] : memref<10112x128xf32, #tpu.memory_space<vmem_shared>> -> memref<128x128xf32, #tpu.memory_space<vmem_shared>>
      %dma_wait3A_118 = arith.constant 0 : i32
      %dma_wait3A_119 = arith.constant 0 : i32
      %dma_wait3A_120 = tpu.memref_slice %arg9[%run_scoped3A, %dma_wait3A_118, %dma_wait3A_119] : memref<2x128x128xf32, #tpu.memory_space<vmem>> -> memref<1x128x128xf32, #tpu.memory_space<vmem>>
      %dma_wait3A_121 = tpu.memref_squeeze %dma_wait3A_120 : memref<1x128x128xf32, #tpu.memory_space<vmem>> -> memref<128x128xf32, #tpu.memory_space<vmem>>
      tpu.wait_dma2 semaphore(%run_scoped3A_98 : memref<!tpu.dma_semaphore, #tpu.memory_space<semaphore_mem>>) src(%dma_wait3A_121 : memref<128x128xf32, #tpu.memory_space<vmem>>) dst(%dma_wait3A_117 : memref<128x128xf32, #tpu.memory_space<vmem_shared>>)
      tpu.yield
    }) : () -> ()
    %mul3A_12 = arith.constant 632 : i32
    %mul3A_13 = arith.muli %arg1, %mul3A_12 : i32
    %add3A_14 = arith.constant 128 : i32
    %add3A_15 = arith.addi %mul3A_13, %add3A_14 : i32
    %run_scoped3A_16 = arith.constant 0 : i32
    "tpu.region"() ({
      %run_scoped3A_98 = tpu.sem_alloc : memref<!tpu.dma_semaphore, #tpu.memory_space<semaphore_mem>>
      %dma_start3A_99 = arith.constant 0 : i32
      %dma_start3A_100 = arith.constant 0 : i32
      %dma_start3A_101 = tpu.memref_slice %arg9[%run_scoped3A_16, %dma_start3A_99, %dma_start3A_100] : memref<2x128x128xf32, #tpu.memory_space<vmem>> -> memref<1x128x128xf32, #tpu.memory_space<vmem>>
      %dma_start3A_102 = tpu.memref_squeeze %dma_start3A_101 : memref<1x128x128xf32, #tpu.memory_space<vmem>> -> memref<128x128xf32, #tpu.memory_space<vmem>>
      %dma_start3A_103 = arith.constant 0 : i32
      %dma_start3A_104 = tpu.memref_slice %arg6[%add3A_15, %dma_start3A_103] : memref<10112x128xf32, #tpu.memory_space<vmem_shared>> -> memref<128x128xf32, #tpu.memory_space<vmem_shared>>
      %dma_start3A_105 = arith.constant 0 : i32
      %dma_start3A_106 = tpu.memref_slice %arg6[%add3A_15, %dma_start3A_105] : memref<10112x128xf32, #tpu.memory_space<vmem_shared>> -> memref<128x128xf32, #tpu.memory_space<vmem_shared>>
      %dma_start3A_107 = arith.constant 0 : i32
      %dma_start3A_108 = arith.constant 0 : i32
      %dma_start3A_109 = tpu.memref_slice %arg9[%run_scoped3A_16, %dma_start3A_107, %dma_start3A_108] : memref<2x128x128xf32, #tpu.memory_space<vmem>> -> memref<1x128x128xf32, #tpu.memory_space<vmem>>
      %dma_start3A_110 = tpu.memref_squeeze %dma_start3A_109 : memref<1x128x128xf32, #tpu.memory_space<vmem>> -> memref<128x128xf32, #tpu.memory_space<vmem>>
      tpu.enqueue_dma source(%dma_start3A_110 : memref<128x128xf32, #tpu.memory_space<vmem>>) target(%dma_start3A_106 : memref<128x128xf32, #tpu.memory_space<vmem_shared>>) target_semaphore(%run_scoped3A_98 : memref<!tpu.dma_semaphore, #tpu.memory_space<semaphore_mem>>)
      %dma_wait3A = arith.constant 0 : i32
      %dma_wait3A_111 = arith.constant 0 : i32
      %dma_wait3A_112 = tpu.memref_slice %arg9[%run_scoped3A_16, %dma_wait3A, %dma_wait3A_111] : memref<2x128x128xf32, #tpu.memory_space<vmem>> -> memref<1x128x128xf32, #tpu.memory_space<vmem>>
      %dma_wait3A_113 = tpu.memref_squeeze %dma_wait3A_112 : memref<1x128x128xf32, #tpu.memory_space<vmem>> -> memref<128x128xf32, #tpu.memory_space<vmem>>
      %dma_wait3A_114 = arith.constant 0 : i32
      %dma_wait3A_115 = tpu.memref_slice %arg6[%add3A_15, %dma_wait3A_114] : memref<10112x128xf32, #tpu.memory_space<vmem_shared>> -> memref<128x128xf32, #tpu.memory_space<vmem_shared>>
      %dma_wait3A_116 = arith.constant 0 : i32
      %dma_wait3A_117 = tpu.memref_slice %arg6[%add3A_15, %dma_wait3A_116] : memref<10112x128xf32, #tpu.memory_space<vmem_shared>> -> memref<128x128xf32, #tpu.memory_space<vmem_shared>>
      %dma_wait3A_118 = arith.constant 0 : i32
      %dma_wait3A_119 = arith.constant 0 : i32
      %dma_wait3A_120 = tpu.memref_slice %arg9[%run_scoped3A_16, %dma_wait3A_118, %dma_wait3A_119] : memref<2x128x128xf32, #tpu.memory_space<vmem>> -> memref<1x128x128xf32, #tpu.memory_space<vmem>>
      %dma_wait3A_121 = tpu.memref_squeeze %dma_wait3A_120 : memref<1x128x128xf32, #tpu.memory_space<vmem>> -> memref<128x128xf32, #tpu.memory_space<vmem>>
      tpu.wait_dma2 semaphore(%run_scoped3A_98 : memref<!tpu.dma_semaphore, #tpu.memory_space<semaphore_mem>>) src(%dma_wait3A_121 : memref<128x128xf32, #tpu.memory_space<vmem>>) dst(%dma_wait3A_117 : memref<128x128xf32, #tpu.memory_space<vmem_shared>>)
      tpu.yield
    }) : () -> ()
    %mul3A_17 = arith.constant 632 : i32
    %mul3A_18 = arith.muli %arg1, %mul3A_17 : i32
    %add3A_19 = arith.constant 256 : i32
    %add3A_20 = arith.addi %mul3A_18, %add3A_19 : i32
    %run_scoped3A_21 = arith.constant 0 : i32
    "tpu.region"() ({
      %run_scoped3A_98 = tpu.sem_alloc : memref<!tpu.dma_semaphore, #tpu.memory_space<semaphore_mem>>
      %dma_start3A_99 = arith.constant 0 : i32
      %dma_start3A_100 = arith.constant 0 : i32
      %dma_start3A_101 = tpu.memref_slice %arg9[%run_scoped3A_21, %dma_start3A_99, %dma_start3A_100] : memref<2x128x128xf32, #tpu.memory_space<vmem>> -> memref<1x128x128xf32, #tpu.memory_space<vmem>>
      %dma_start3A_102 = tpu.memref_squeeze %dma_start3A_101 : memref<1x128x128xf32, #tpu.memory_space<vmem>> -> memref<128x128xf32, #tpu.memory_space<vmem>>
      %dma_start3A_103 = arith.constant 0 : i32
      %dma_start3A_104 = tpu.memref_slice %arg6[%add3A_20, %dma_start3A_103] : memref<10112x128xf32, #tpu.memory_space<vmem_shared>> -> memref<128x128xf32, #tpu.memory_space<vmem_shared>>
      %dma_start3A_105 = arith.constant 0 : i32
      %dma_start3A_106 = tpu.memref_slice %arg6[%add3A_20, %dma_start3A_105] : memref<10112x128xf32, #tpu.memory_space<vmem_shared>> -> memref<128x128xf32, #tpu.memory_space<vmem_shared>>
      %dma_start3A_107 = arith.constant 0 : i32
      %dma_start3A_108 = arith.constant 0 : i32
      %dma_start3A_109 = tpu.memref_slice %arg9[%run_scoped3A_21, %dma_start3A_107, %dma_start3A_108] : memref<2x128x128xf32, #tpu.memory_space<vmem>> -> memref<1x128x128xf32, #tpu.memory_space<vmem>>
      %dma_start3A_110 = tpu.memref_squeeze %dma_start3A_109 : memref<1x128x128xf32, #tpu.memory_space<vmem>> -> memref<128x128xf32, #tpu.memory_space<vmem>>
      tpu.enqueue_dma source(%dma_start3A_110 : memref<128x128xf32, #tpu.memory_space<vmem>>) target(%dma_start3A_106 : memref<128x128xf32, #tpu.memory_space<vmem_shared>>) target_semaphore(%run_scoped3A_98 : memref<!tpu.dma_semaphore, #tpu.memory_space<semaphore_mem>>)
      %dma_wait3A = arith.constant 0 : i32
      %dma_wait3A_111 = arith.constant 0 : i32
      %dma_wait3A_112 = tpu.memref_slice %arg9[%run_scoped3A_21, %dma_wait3A, %dma_wait3A_111] : memref<2x128x128xf32, #tpu.memory_space<vmem>> -> memref<1x128x128xf32, #tpu.memory_space<vmem>>
      %dma_wait3A_113 = tpu.memref_squeeze %dma_wait3A_112 : memref<1x128x128xf32, #tpu.memory_space<vmem>> -> memref<128x128xf32, #tpu.memory_space<vmem>>
      %dma_wait3A_114 = arith.constant 0 : i32
      %dma_wait3A_115 = tpu.memref_slice %arg6[%add3A_20, %dma_wait3A_114] : memref<10112x128xf32, #tpu.memory_space<vmem_shared>> -> memref<128x128xf32, #tpu.memory_space<vmem_shared>>
      %dma_wait3A_116 = arith.constant 0 : i32
      %dma_wait3A_117 = tpu.memref_slice %arg6[%add3A_20, %dma_wait3A_116] : memref<10112x128xf32, #tpu.memory_space<vmem_shared>> -> memref<128x128xf32, #tpu.memory_space<vmem_shared>>
      %dma_wait3A_118 = arith.constant 0 : i32
      %dma_wait3A_119 = arith.constant 0 : i32
      %dma_wait3A_120 = tpu.memref_slice %arg9[%run_scoped3A_21, %dma_wait3A_118, %dma_wait3A_119] : memref<2x128x128xf32, #tpu.memory_space<vmem>> -> memref<1x128x128xf32, #tpu.memory_space<vmem>>
      %dma_wait3A_121 = tpu.memref_squeeze %dma_wait3A_120 : memref<1x128x128xf32, #tpu.memory_space<vmem>> -> memref<128x128xf32, #tpu.memory_space<vmem>>
      tpu.wait_dma2 semaphore(%run_scoped3A_98 : memref<!tpu.dma_semaphore, #tpu.memory_space<semaphore_mem>>) src(%dma_wait3A_121 : memref<128x128xf32, #tpu.memory_space<vmem>>) dst(%dma_wait3A_117 : memref<128x128xf32, #tpu.memory_space<vmem_shared>>)
      tpu.yield
    }) : () -> ()
    %mul3A_22 = arith.constant 632 : i32
    %mul3A_23 = arith.muli %arg1, %mul3A_22 : i32
    %add3A_24 = arith.constant 384 : i32
    %add3A_25 = arith.addi %mul3A_23, %add3A_24 : i32
    %run_scoped3A_26 = arith.constant 0 : i32
    "tpu.region"() ({
      %run_scoped3A_98 = tpu.sem_alloc : memref<!tpu.dma_semaphore, #tpu.memory_space<semaphore_mem>>
      %dma_start3A_99 = arith.constant 0 : i32
      %dma_start3A_100 = arith.constant 0 : i32
      %dma_start3A_101 = tpu.memref_slice %arg9[%run_scoped3A_26, %dma_start3A_99, %dma_start3A_100] : memref<2x128x128xf32, #tpu.memory_space<vmem>> -> memref<1x128x128xf32, #tpu.memory_space<vmem>>
      %dma_start3A_102 = tpu.memref_squeeze %dma_start3A_101 : memref<1x128x128xf32, #tpu.memory_space<vmem>> -> memref<128x128xf32, #tpu.memory_space<vmem>>
      %dma_start3A_103 = arith.constant 0 : i32
      %dma_start3A_104 = tpu.memref_slice %arg6[%add3A_25, %dma_start3A_103] : memref<10112x128xf32, #tpu.memory_space<vmem_shared>> -> memref<128x128xf32, #tpu.memory_space<vmem_shared>>
      %dma_start3A_105 = arith.constant 0 : i32
      %dma_start3A_106 = tpu.memref_slice %arg6[%add3A_25, %dma_start3A_105] : memref<10112x128xf32, #tpu.memory_space<vmem_shared>> -> memref<128x128xf32, #tpu.memory_space<vmem_shared>>
      %dma_start3A_107 = arith.constant 0 : i32
      %dma_start3A_108 = arith.constant 0 : i32
      %dma_start3A_109 = tpu.memref_slice %arg9[%run_scoped3A_26, %dma_start3A_107, %dma_start3A_108] : memref<2x128x128xf32, #tpu.memory_space<vmem>> -> memref<1x128x128xf32, #tpu.memory_space<vmem>>
      %dma_start3A_110 = tpu.memref_squeeze %dma_start3A_109 : memref<1x128x128xf32, #tpu.memory_space<vmem>> -> memref<128x128xf32, #tpu.memory_space<vmem>>
      tpu.enqueue_dma source(%dma_start3A_110 : memref<128x128xf32, #tpu.memory_space<vmem>>) target(%dma_start3A_106 : memref<128x128xf32, #tpu.memory_space<vmem_shared>>) target_semaphore(%run_scoped3A_98 : memref<!tpu.dma_semaphore, #tpu.memory_space<semaphore_mem>>)
      %dma_wait3A = arith.constant 0 : i32
      %dma_wait3A_111 = arith.constant 0 : i32
      %dma_wait3A_112 = tpu.memref_slice %arg9[%run_scoped3A_26, %dma_wait3A, %dma_wait3A_111] : memref<2x128x128xf32, #tpu.memory_space<vmem>> -> memref<1x128x128xf32, #tpu.memory_space<vmem>>
      %dma_wait3A_113 = tpu.memref_squeeze %dma_wait3A_112 : memref<1x128x128xf32, #tpu.memory_space<vmem>> -> memref<128x128xf32, #tpu.memory_space<vmem>>
      %dma_wait3A_114 = arith.constant 0 : i32
      %dma_wait3A_115 = tpu.memref_slice %arg6[%add3A_25, %dma_wait3A_114] : memref<10112x128xf32, #tpu.memory_space<vmem_shared>> -> memref<128x128xf32, #tpu.memory_space<vmem_shared>>
      %dma_wait3A_116 = arith.constant 0 : i32
      %dma_wait3A_117 = tpu.memref_slice %arg6[%add3A_25, %dma_wait3A_116] : memref<10112x128xf32, #tpu.memory_space<vmem_shared>> -> memref<128x128xf32, #tpu.memory_space<vmem_shared>>
      %dma_wait3A_118 = arith.constant 0 : i32
      %dma_wait3A_119 = arith.constant 0 : i32
      %dma_wait3A_120 = tpu.memref_slice %arg9[%run_scoped3A_26, %dma_wait3A_118, %dma_wait3A_119] : memref<2x128x128xf32, #tpu.memory_space<vmem>> -> memref<1x128x128xf32, #tpu.memory_space<vmem>>
      %dma_wait3A_121 = tpu.memref_squeeze %dma_wait3A_120 : memref<1x128x128xf32, #tpu.memory_space<vmem>> -> memref<128x128xf32, #tpu.memory_space<vmem>>
      tpu.wait_dma2 semaphore(%run_scoped3A_98 : memref<!tpu.dma_semaphore, #tpu.memory_space<semaphore_mem>>) src(%dma_wait3A_121 : memref<128x128xf32, #tpu.memory_space<vmem>>) dst(%dma_wait3A_117 : memref<128x128xf32, #tpu.memory_space<vmem_shared>>)
      tpu.yield
    }) : () -> ()
    %mul3A_27 = arith.constant 632 : i32
    %mul3A_28 = arith.muli %arg1, %mul3A_27 : i32
    %add3A_29 = arith.constant 512 : i32
    %add3A_30 = arith.addi %mul3A_28, %add3A_29 : i32
    %run_scoped3A_31 = arith.constant 0 : i32
    "tpu.region"() ({
      %run_scoped3A_98 = tpu.sem_alloc : memref<!tpu.dma_semaphore, #tpu.memory_space<semaphore_mem>>
      %dma_start3A_99 = arith.constant 0 : i32
      %dma_start3A_100 = arith.constant 0 : i32
      %dma_start3A_101 = tpu.memref_slice %arg9[%run_scoped3A_31, %dma_start3A_99, %dma_start3A_100] : memref<2x128x128xf32, #tpu.memory_space<vmem>> -> memref<1x120x128xf32, #tpu.memory_space<vmem>>
      %dma_start3A_102 = tpu.memref_squeeze %dma_start3A_101 : memref<1x120x128xf32, #tpu.memory_space<vmem>> -> memref<120x128xf32, #tpu.memory_space<vmem>>
      %dma_start3A_103 = arith.constant 0 : i32
      %dma_start3A_104 = tpu.memref_slice %arg6[%add3A_30, %dma_start3A_103] : memref<10112x128xf32, #tpu.memory_space<vmem_shared>> -> memref<120x128xf32, #tpu.memory_space<vmem_shared>>
      %dma_start3A_105 = arith.constant 0 : i32
      %dma_start3A_106 = tpu.memref_slice %arg6[%add3A_30, %dma_start3A_105] : memref<10112x128xf32, #tpu.memory_space<vmem_shared>> -> memref<120x128xf32, #tpu.memory_space<vmem_shared>>
      %dma_start3A_107 = arith.constant 0 : i32
      %dma_start3A_108 = arith.constant 0 : i32
      %dma_start3A_109 = tpu.memref_slice %arg9[%run_scoped3A_31, %dma_start3A_107, %dma_start3A_108] : memref<2x128x128xf32, #tpu.memory_space<vmem>> -> memref<1x120x128xf32, #tpu.memory_space<vmem>>
      %dma_start3A_110 = tpu.memref_squeeze %dma_start3A_109 : memref<1x120x128xf32, #tpu.memory_space<vmem>> -> memref<120x128xf32, #tpu.memory_space<vmem>>
      tpu.enqueue_dma source(%dma_start3A_110 : memref<120x128xf32, #tpu.memory_space<vmem>>) target(%dma_start3A_106 : memref<120x128xf32, #tpu.memory_space<vmem_shared>>) target_semaphore(%run_scoped3A_98 : memref<!tpu.dma_semaphore, #tpu.memory_space<semaphore_mem>>)
      %dma_wait3A = arith.constant 0 : i32
      %dma_wait3A_111 = arith.constant 0 : i32
      %dma_wait3A_112 = tpu.memref_slice %arg9[%run_scoped3A_31, %dma_wait3A, %dma_wait3A_111] : memref<2x128x128xf32, #tpu.memory_space<vmem>> -> memref<1x120x128xf32, #tpu.memory_space<vmem>>
      %dma_wait3A_113 = tpu.memref_squeeze %dma_wait3A_112 : memref<1x120x128xf32, #tpu.memory_space<vmem>> -> memref<120x128xf32, #tpu.memory_space<vmem>>
      %dma_wait3A_114 = arith.constant 0 : i32
      %dma_wait3A_115 = tpu.memref_slice %arg6[%add3A_30, %dma_wait3A_114] : memref<10112x128xf32, #tpu.memory_space<vmem_shared>> -> memref<120x128xf32, #tpu.memory_space<vmem_shared>>
      %dma_wait3A_116 = arith.constant 0 : i32
      %dma_wait3A_117 = tpu.memref_slice %arg6[%add3A_30, %dma_wait3A_116] : memref<10112x128xf32, #tpu.memory_space<vmem_shared>> -> memref<120x128xf32, #tpu.memory_space<vmem_shared>>
      %dma_wait3A_118 = arith.constant 0 : i32
      %dma_wait3A_119 = arith.constant 0 : i32
      %dma_wait3A_120 = tpu.memref_slice %arg9[%run_scoped3A_31, %dma_wait3A_118, %dma_wait3A_119] : memref<2x128x128xf32, #tpu.memory_space<vmem>> -> memref<1x120x128xf32, #tpu.memory_space<vmem>>
      %dma_wait3A_121 = tpu.memref_squeeze %dma_wait3A_120 : memref<1x120x128xf32, #tpu.memory_space<vmem>> -> memref<120x128xf32, #tpu.memory_space<vmem>>
      tpu.wait_dma2 semaphore(%run_scoped3A_98 : memref<!tpu.dma_semaphore, #tpu.memory_space<semaphore_mem>>) src(%dma_wait3A_121 : memref<120x128xf32, #tpu.memory_space<vmem>>) dst(%dma_wait3A_117 : memref<120x128xf32, #tpu.memory_space<vmem_shared>>)
      tpu.yield
    }) : () -> ()
    "tpu.trace_start"() <{level = 10 : i32, message = "zero_barrier"}> : () -> ()
    %barrier3A = arith.constant 0 : index
    tpu.barrier barrier_id(%barrier3A)
    "tpu.trace_stop"() : () -> ()
    "tpu.region"() ({
      %run_scoped3A_98 = tpu.sem_alloc : memref<!tpu.dma_semaphore, #tpu.memory_space<semaphore_mem>>
      %dma_start3A_99 = arith.constant 0 : i32
      %dma_start3A_100 = arith.constant 0 : i32
      %dma_start3A_101 = tpu.memref_slice %arg3[%add3A, %dma_start3A_99, %dma_start3A_100] : memref<32x80x128xi32, #tpu.memory_space<hbm>> -> memref<1x40x128xi32, #tpu.memory_space<hbm>>
      %dma_start3A_102 = tpu.memref_squeeze %dma_start3A_101 : memref<1x40x128xi32, #tpu.memory_space<hbm>> -> memref<40x128xi32, #tpu.memory_space<hbm>>
      %dma_start3A_103 = arith.constant 0 : i32
      %dma_start3A_104 = arith.constant 0 : i32
      %dma_start3A_105 = tpu.memref_slice %arg3[%add3A, %dma_start3A_103, %dma_start3A_104] : memref<32x80x128xi32, #tpu.memory_space<hbm>> -> memref<1x40x128xi32, #tpu.memory_space<hbm>>
      %dma_start3A_106 = tpu.memref_squeeze %dma_start3A_105 : memref<1x40x128xi32, #tpu.memory_space<hbm>> -> memref<40x128xi32, #tpu.memory_space<hbm>>
      tpu.enqueue_dma source(%dma_start3A_106 : memref<40x128xi32, #tpu.memory_space<hbm>>) target(%arg7 : memref<40x128xi32, #tpu.memory_space<vmem>>) target_semaphore(%run_scoped3A_98 : memref<!tpu.dma_semaphore, #tpu.memory_space<semaphore_mem>>)
      %dma_wait3A = arith.constant 0 : i32
      %dma_wait3A_107 = arith.constant 0 : i32
      %dma_wait3A_108 = tpu.memref_slice %arg3[%add3A, %dma_wait3A, %dma_wait3A_107] : memref<32x80x128xi32, #tpu.memory_space<hbm>> -> memref<1x40x128xi32, #tpu.memory_space<hbm>>
      %dma_wait3A_109 = tpu.memref_squeeze %dma_wait3A_108 : memref<1x40x128xi32, #tpu.memory_space<hbm>> -> memref<40x128xi32, #tpu.memory_space<hbm>>
      %dma_wait3A_110 = arith.constant 0 : i32
      %dma_wait3A_111 = arith.constant 0 : i32
      %dma_wait3A_112 = tpu.memref_slice %arg3[%add3A, %dma_wait3A_110, %dma_wait3A_111] : memref<32x80x128xi32, #tpu.memory_space<hbm>> -> memref<1x40x128xi32, #tpu.memory_space<hbm>>
      %dma_wait3A_113 = tpu.memref_squeeze %dma_wait3A_112 : memref<1x40x128xi32, #tpu.memory_space<hbm>> -> memref<40x128xi32, #tpu.memory_space<hbm>>
      tpu.wait_dma2 semaphore(%run_scoped3A_98 : memref<!tpu.dma_semaphore, #tpu.memory_space<semaphore_mem>>) src(%dma_wait3A_113 : memref<40x128xi32, #tpu.memory_space<hbm>>) dst(%arg7 : memref<40x128xi32, #tpu.memory_space<vmem>>)
      tpu.yield
    }) : () -> ()
    "tpu.region"() ({
      %run_scoped3A_98 = tpu.sem_alloc : memref<!tpu.dma_semaphore, #tpu.memory_space<semaphore_mem>>
      %dma_start3A_99 = arith.constant 0 : i32
      %dma_start3A_100 = arith.constant 0 : i32
      %dma_start3A_101 = tpu.memref_slice %arg4[%add3A, %dma_start3A_99, %dma_start3A_100] : memref<32x80x128xi32, #tpu.memory_space<hbm>> -> memref<1x40x128xi32, #tpu.memory_space<hbm>>
      %dma_start3A_102 = tpu.memref_squeeze %dma_start3A_101 : memref<1x40x128xi32, #tpu.memory_space<hbm>> -> memref<40x128xi32, #tpu.memory_space<hbm>>
      %dma_start3A_103 = arith.constant 0 : i32
      %dma_start3A_104 = arith.constant 0 : i32
      %dma_start3A_105 = tpu.memref_slice %arg4[%add3A, %dma_start3A_103, %dma_start3A_104] : memref<32x80x128xi32, #tpu.memory_space<hbm>> -> memref<1x40x128xi32, #tpu.memory_space<hbm>>
      %dma_start3A_106 = tpu.memref_squeeze %dma_start3A_105 : memref<1x40x128xi32, #tpu.memory_space<hbm>> -> memref<40x128xi32, #tpu.memory_space<hbm>>
      tpu.enqueue_dma source(%dma_start3A_106 : memref<40x128xi32, #tpu.memory_space<hbm>>) target(%arg8 : memref<40x128xi32, #tpu.memory_space<vmem>>) target_semaphore(%run_scoped3A_98 : memref<!tpu.dma_semaphore, #tpu.memory_space<semaphore_mem>>)
      %dma_wait3A = arith.constant 0 : i32
      %dma_wait3A_107 = arith.constant 0 : i32
      %dma_wait3A_108 = tpu.memref_slice %arg4[%add3A, %dma_wait3A, %dma_wait3A_107] : memref<32x80x128xi32, #tpu.memory_space<hbm>> -> memref<1x40x128xi32, #tpu.memory_space<hbm>>
      %dma_wait3A_109 = tpu.memref_squeeze %dma_wait3A_108 : memref<1x40x128xi32, #tpu.memory_space<hbm>> -> memref<40x128xi32, #tpu.memory_space<hbm>>
      %dma_wait3A_110 = arith.constant 0 : i32
      %dma_wait3A_111 = arith.constant 0 : i32
      %dma_wait3A_112 = tpu.memref_slice %arg4[%add3A, %dma_wait3A_110, %dma_wait3A_111] : memref<32x80x128xi32, #tpu.memory_space<hbm>> -> memref<1x40x128xi32, #tpu.memory_space<hbm>>
      %dma_wait3A_113 = tpu.memref_squeeze %dma_wait3A_112 : memref<1x40x128xi32, #tpu.memory_space<hbm>> -> memref<40x128xi32, #tpu.memory_space<hbm>>
      tpu.wait_dma2 semaphore(%run_scoped3A_98 : memref<!tpu.dma_semaphore, #tpu.memory_space<semaphore_mem>>) src(%dma_wait3A_113 : memref<40x128xi32, #tpu.memory_space<hbm>>) dst(%arg8 : memref<40x128xi32, #tpu.memory_space<vmem>>)
      tpu.yield
    }) : () -> ()
    %dma_start3A = arith.constant 0 : i32
    %dma_start3A_32 = arith.constant 0 : i32
    %dma_start3A_33 = arith.constant 0 : i32
    %dma_start3A_34 = arith.constant 0 : i32
    %dma_start3A_35 = tpu.memref_slice %arg9[%dma_start3A_32, %dma_start3A_33, %dma_start3A_34] : memref<2x128x128xf32, #tpu.memory_space<vmem>> -> memref<1x128x128xf32, #tpu.memory_space<vmem>>
    %dma_start3A_36 = tpu.memref_squeeze %dma_start3A_35 : memref<1x128x128xf32, #tpu.memory_space<vmem>> -> memref<128x128xf32, #tpu.memory_space<vmem>>
    %dma_start3A_37 = arith.constant 0 : i32
    %dma_start3A_38 = tpu.memref_slice %arg7[%dma_start3A, %dma_start3A_37] : memref<40x128xi32, #tpu.memory_space<vmem>> -> memref<1x128xi32, #tpu.memory_space<vmem>>
    %dma_start3A_39 = tpu.memref_squeeze %dma_start3A_38 : memref<1x128xi32, #tpu.memory_space<vmem>> -> memref<128xi32, #tpu.memory_space<vmem>>
    %dma_start3A_40 = arith.constant 0 : i32
    %dma_start3A_41 = arith.constant 0 : i32
    %dma_start3A_42 = tpu.memref_slice %arg2[%dma_start3A_40, %dma_start3A_41] : memref<10000x128xf32, #tpu.memory_space<hbm>> -> memref<10000x128xf32, #tpu.memory_space<hbm>>
    tpu.enqueue_indirect_dma source(%dma_start3A_42 : memref<10000x128xf32, #tpu.memory_space<hbm>>) target(%dma_start3A_36 : memref<128x128xf32, #tpu.memory_space<vmem>>) offsets(%dma_start3A_39 : memref<128xi32, #tpu.memory_space<vmem>>) semaphore(%arg10 : memref<!tpu.dma_semaphore, #tpu.memory_space<semaphore_mem>>)
    %dma_start3A_43 = arith.constant 1 : i32
    %dma_start3A_44 = arith.constant 1 : i32
    %dma_start3A_45 = arith.constant 0 : i32
    %dma_start3A_46 = arith.constant 0 : i32
    %dma_start3A_47 = tpu.memref_slice %arg9[%dma_start3A_44, %dma_start3A_45, %dma_start3A_46] : memref<2x128x128xf32, #tpu.memory_space<vmem>> -> memref<1x128x128xf32, #tpu.memory_space<vmem>>
    %dma_start3A_48 = tpu.memref_squeeze %dma_start3A_47 : memref<1x128x128xf32, #tpu.memory_space<vmem>> -> memref<128x128xf32, #tpu.memory_space<vmem>>
    %dma_start3A_49 = arith.constant 0 : i32
    %dma_start3A_50 = tpu.memref_slice %arg7[%dma_start3A_43, %dma_start3A_49] : memref<40x128xi32, #tpu.memory_space<vmem>> -> memref<1x128xi32, #tpu.memory_space<vmem>>
    %dma_start3A_51 = tpu.memref_squeeze %dma_start3A_50 : memref<1x128xi32, #tpu.memory_space<vmem>> -> memref<128xi32, #tpu.memory_space<vmem>>
    %dma_start3A_52 = arith.constant 0 : i32
    %dma_start3A_53 = arith.constant 0 : i32
    %dma_start3A_54 = tpu.memref_slice %arg2[%dma_start3A_52, %dma_start3A_53] : memref<10000x128xf32, #tpu.memory_space<hbm>> -> memref<10000x128xf32, #tpu.memory_space<hbm>>
    tpu.enqueue_indirect_dma source(%dma_start3A_54 : memref<10000x128xf32, #tpu.memory_space<hbm>>) target(%dma_start3A_48 : memref<128x128xf32, #tpu.memory_space<vmem>>) offsets(%dma_start3A_51 : memref<128xi32, #tpu.memory_space<vmem>>) semaphore(%arg11 : memref<!tpu.dma_semaphore, #tpu.memory_space<semaphore_mem>>)
    "tpu.trace_start"() <{level = 10 : i32, message = "edges_half0"}> : () -> ()
    %scan3A_55 = arith.constant 0 : i32
    %scan3A_56 = arith.constant 0 : i32
    %scan3A_57 = arith.constant 20 : i32
    %scan3A_58 = arith.addi %scan3A_56, %scan3A_57 : i32
    %scan3A_59 = arith.constant 1 : i32
    %scan3A_60 = scf.for %scan3A_98 = %scan3A_56 to %scan3A_58 step %scan3A_59 iter_args(%scan3A_99 = %scan3A_55) -> (i32)  : i32 {
      %mul3A_100 = arith.constant 2 : i32
      %mul3A_101 = arith.muli %scan3A_98, %mul3A_100 : i32
      %add3A_102 = arith.constant 0 : i32
      %add3A_103 = arith.addi %mul3A_101, %add3A_102 : i32
      %dma_wait3A = arith.constant 0 : i32
      %dma_wait3A_104 = arith.constant 0 : i32
      %dma_wait3A_105 = arith.constant 0 : i32
      %dma_wait3A_106 = tpu.memref_slice %arg9[%dma_wait3A, %dma_wait3A_104, %dma_wait3A_105] : memref<2x128x128xf32, #tpu.memory_space<vmem>> -> memref<1x128x128xf32, #tpu.memory_space<vmem>>
      %dma_wait3A_107 = tpu.memref_squeeze %dma_wait3A_106 : memref<1x128x128xf32, #tpu.memory_space<vmem>> -> memref<128x128xf32, #tpu.memory_space<vmem>>
      %dma_wait3A_108 = arith.constant 0 : i32
      %dma_wait3A_109 = tpu.memref_slice %arg7[%add3A_103, %dma_wait3A_108] : memref<40x128xi32, #tpu.memory_space<vmem>> -> memref<1x128xi32, #tpu.memory_space<vmem>>
      %dma_wait3A_110 = tpu.memref_squeeze %dma_wait3A_109 : memref<1x128xi32, #tpu.memory_space<vmem>> -> memref<128xi32, #tpu.memory_space<vmem>>
      %dma_wait3A_111 = arith.constant 0 : i32
      %dma_wait3A_112 = arith.constant 0 : i32
      %dma_wait3A_113 = tpu.memref_slice %arg2[%dma_wait3A_111, %dma_wait3A_112] : memref<10000x128xf32, #tpu.memory_space<hbm>> -> memref<10000x128xf32, #tpu.memory_space<hbm>>
      tpu.wait_indirect_dma semaphore(%arg10 : memref<!tpu.dma_semaphore, #tpu.memory_space<semaphore_mem>>) src(%dma_wait3A_113 : memref<10000x128xf32, #tpu.memory_space<hbm>>) dst(%dma_wait3A_107 : memref<128x128xf32, #tpu.memory_space<vmem>>)
      %run_scoped3A_114 = arith.constant 0 : i32
      "tpu.region"() ({
        %run_scoped3A_141 = tpu.sem_alloc : memref<!tpu.dma_semaphore, #tpu.memory_space<semaphore_mem>>
        %dma_start3A_142 = arith.constant 0 : i32
        %dma_start3A_143 = arith.constant 0 : i32
        %dma_start3A_144 = tpu.memref_slice %arg9[%run_scoped3A_114, %dma_start3A_142, %dma_start3A_143] : memref<2x128x128xf32, #tpu.memory_space<vmem>> -> memref<1x128x128xf32, #tpu.memory_space<vmem>>
        %dma_start3A_145 = tpu.memref_squeeze %dma_start3A_144 : memref<1x128x128xf32, #tpu.memory_space<vmem>> -> memref<128x128xf32, #tpu.memory_space<vmem>>
        %dma_start3A_146 = arith.constant 0 : i32
        %dma_start3A_147 = tpu.memref_slice %arg8[%add3A_103, %dma_start3A_146] : memref<40x128xi32, #tpu.memory_space<vmem>> -> memref<1x128xi32, #tpu.memory_space<vmem>>
        %dma_start3A_148 = tpu.memref_squeeze %dma_start3A_147 : memref<1x128xi32, #tpu.memory_space<vmem>> -> memref<128xi32, #tpu.memory_space<vmem>>
        %dma_start3A_149 = arith.constant 0 : i32
        %dma_start3A_150 = arith.constant 0 : i32
        %dma_start3A_151 = tpu.memref_slice %arg6[%dma_start3A_149, %dma_start3A_150] : memref<10112x128xf32, #tpu.memory_space<vmem_shared>> -> memref<10112x128xf32, #tpu.memory_space<vmem_shared>>
        tpu.enqueue_indirect_dma source(%dma_start3A_145 : memref<128x128xf32, #tpu.memory_space<vmem>>) target(%dma_start3A_151 : memref<10112x128xf32, #tpu.memory_space<vmem_shared>>) offsets(%dma_start3A_148 : memref<128xi32, #tpu.memory_space<vmem>>) semaphore(%run_scoped3A_141 : memref<!tpu.dma_semaphore, #tpu.memory_space<semaphore_mem>>) {add = true}
        %dma_wait3A_152 = arith.constant 0 : i32
        %dma_wait3A_153 = arith.constant 0 : i32
        %dma_wait3A_154 = tpu.memref_slice %arg9[%run_scoped3A_114, %dma_wait3A_152, %dma_wait3A_153] : memref<2x128x128xf32, #tpu.memory_space<vmem>> -> memref<1x128x128xf32, #tpu.memory_space<vmem>>
        %dma_wait3A_155 = tpu.memref_squeeze %dma_wait3A_154 : memref<1x128x128xf32, #tpu.memory_space<vmem>> -> memref<128x128xf32, #tpu.memory_space<vmem>>
        %dma_wait3A_156 = arith.constant 0 : i32
        %dma_wait3A_157 = tpu.memref_slice %arg8[%add3A_103, %dma_wait3A_156] : memref<40x128xi32, #tpu.memory_space<vmem>> -> memref<1x128xi32, #tpu.memory_space<vmem>>
        %dma_wait3A_158 = tpu.memref_squeeze %dma_wait3A_157 : memref<1x128xi32, #tpu.memory_space<vmem>> -> memref<128xi32, #tpu.memory_space<vmem>>
        %dma_wait3A_159 = arith.constant 0 : i32
        %dma_wait3A_160 = arith.constant 0 : i32
        %dma_wait3A_161 = tpu.memref_slice %arg6[%dma_wait3A_159, %dma_wait3A_160] : memref<10112x128xf32, #tpu.memory_space<vmem_shared>> -> memref<10112x128xf32, #tpu.memory_space<vmem_shared>>
        tpu.wait_indirect_dma semaphore(%run_scoped3A_141 : memref<!tpu.dma_semaphore, #tpu.memory_space<semaphore_mem>>) src(%dma_wait3A_155 : memref<128x128xf32, #tpu.memory_space<vmem>>) dst(%dma_wait3A_161 : memref<10112x128xf32, #tpu.memory_space<vmem_shared>>)
        tpu.yield
      }) : () -> ()
      %add3A_115 = arith.constant 2 : i32
      %add3A_116 = arith.addi %add3A_103, %add3A_115 : i32
      %lt3A = arith.constant 40 : i32
      %lt3A_117 = arith.cmpi slt, %add3A_116, %lt3A : i32
      %convert_element_type3A = arith.extui %lt3A_117 : i1 to i32
      %cond3A = arith.constant 0 : i32
      %cond3A_118 = arith.cmpi ne, %convert_element_type3A, %cond3A : i32
      scf.if %cond3A_118 {
        %add3A_141 = arith.constant 2 : i32
        %add3A_142 = arith.addi %add3A_103, %add3A_141 : i32
        %dma_start3A_143 = arith.constant 0 : i32
        %dma_start3A_144 = arith.constant 0 : i32
        %dma_start3A_145 = arith.constant 0 : i32
        %dma_start3A_146 = tpu.memref_slice %arg9[%dma_start3A_143, %dma_start3A_144, %dma_start3A_145] : memref<2x128x128xf32, #tpu.memory_space<vmem>> -> memref<1x128x128xf32, #tpu.memory_space<vmem>>
        %dma_start3A_147 = tpu.memref_squeeze %dma_start3A_146 : memref<1x128x128xf32, #tpu.memory_space<vmem>> -> memref<128x128xf32, #tpu.memory_space<vmem>>
        %dma_start3A_148 = arith.constant 0 : i32
        %dma_start3A_149 = tpu.memref_slice %arg7[%add3A_142, %dma_start3A_148] : memref<40x128xi32, #tpu.memory_space<vmem>> -> memref<1x128xi32, #tpu.memory_space<vmem>>
        %dma_start3A_150 = tpu.memref_squeeze %dma_start3A_149 : memref<1x128xi32, #tpu.memory_space<vmem>> -> memref<128xi32, #tpu.memory_space<vmem>>
        %dma_start3A_151 = arith.constant 0 : i32
        %dma_start3A_152 = arith.constant 0 : i32
        %dma_start3A_153 = tpu.memref_slice %arg2[%dma_start3A_151, %dma_start3A_152] : memref<10000x128xf32, #tpu.memory_space<hbm>> -> memref<10000x128xf32, #tpu.memory_space<hbm>>
        tpu.enqueue_indirect_dma source(%dma_start3A_153 : memref<10000x128xf32, #tpu.memory_space<hbm>>) target(%dma_start3A_147 : memref<128x128xf32, #tpu.memory_space<vmem>>) offsets(%dma_start3A_150 : memref<128xi32, #tpu.memory_space<vmem>>) semaphore(%arg10 : memref<!tpu.dma_semaphore, #tpu.memory_space<semaphore_mem>>)
      } else {
      }
      %add3A_119 = arith.constant 1 : i32
      %add3A_120 = arith.addi %mul3A_101, %add3A_119 : i32
      %dma_wait3A_121 = arith.constant 1 : i32
      %dma_wait3A_122 = arith.constant 0 : i32
      %dma_wait3A_123 = arith.constant 0 : i32
      %dma_wait3A_124 = tpu.memref_slice %arg9[%dma_wait3A_121, %dma_wait3A_122, %dma_wait3A_123] : memref<2x128x128xf32, #tpu.memory_space<vmem>> -> memref<1x128x128xf32, #tpu.memory_space<vmem>>
      %dma_wait3A_125 = tpu.memref_squeeze %dma_wait3A_124 : memref<1x128x128xf32, #tpu.memory_space<vmem>> -> memref<128x128xf32, #tpu.memory_space<vmem>>
      %dma_wait3A_126 = arith.constant 0 : i32
      %dma_wait3A_127 = tpu.memref_slice %arg7[%add3A_120, %dma_wait3A_126] : memref<40x128xi32, #tpu.memory_space<vmem>> -> memref<1x128xi32, #tpu.memory_space<vmem>>
      %dma_wait3A_128 = tpu.memref_squeeze %dma_wait3A_127 : memref<1x128xi32, #tpu.memory_space<vmem>> -> memref<128xi32, #tpu.memory_space<vmem>>
      %dma_wait3A_129 = arith.constant 0 : i32
      %dma_wait3A_130 = arith.constant 0 : i32
      %dma_wait3A_131 = tpu.memref_slice %arg2[%dma_wait3A_129, %dma_wait3A_130] : memref<10000x128xf32, #tpu.memory_space<hbm>> -> memref<10000x128xf32, #tpu.memory_space<hbm>>
      tpu.wait_indirect_dma semaphore(%arg11 : memref<!tpu.dma_semaphore, #tpu.memory_space<semaphore_mem>>) src(%dma_wait3A_131 : memref<10000x128xf32, #tpu.memory_space<hbm>>) dst(%dma_wait3A_125 : memref<128x128xf32, #tpu.memory_space<vmem>>)
      %run_scoped3A_132 = arith.constant 1 : i32
      "tpu.region"() ({
        %run_scoped3A_141 = tpu.sem_alloc : memref<!tpu.dma_semaphore, #tpu.memory_space<semaphore_mem>>
        %dma_start3A_142 = arith.constant 0 : i32
        %dma_start3A_143 = arith.constant 0 : i32
        %dma_start3A_144 = tpu.memref_slice %arg9[%run_scoped3A_132, %dma_start3A_142, %dma_start3A_143] : memref<2x128x128xf32, #tpu.memory_space<vmem>> -> memref<1x128x128xf32, #tpu.memory_space<vmem>>
        %dma_start3A_145 = tpu.memref_squeeze %dma_start3A_144 : memref<1x128x128xf32, #tpu.memory_space<vmem>> -> memref<128x128xf32, #tpu.memory_space<vmem>>
        %dma_start3A_146 = arith.constant 0 : i32
        %dma_start3A_147 = tpu.memref_slice %arg8[%add3A_120, %dma_start3A_146] : memref<40x128xi32, #tpu.memory_space<vmem>> -> memref<1x128xi32, #tpu.memory_space<vmem>>
        %dma_start3A_148 = tpu.memref_squeeze %dma_start3A_147 : memref<1x128xi32, #tpu.memory_space<vmem>> -> memref<128xi32, #tpu.memory_space<vmem>>
        %dma_start3A_149 = arith.constant 0 : i32
        %dma_start3A_150 = arith.constant 0 : i32
        %dma_start3A_151 = tpu.memref_slice %arg6[%dma_start3A_149, %dma_start3A_150] : memref<10112x128xf32, #tpu.memory_space<vmem_shared>> -> memref<10112x128xf32, #tpu.memory_space<vmem_shared>>
        tpu.enqueue_indirect_dma source(%dma_start3A_145 : memref<128x128xf32, #tpu.memory_space<vmem>>) target(%dma_start3A_151 : memref<10112x128xf32, #tpu.memory_space<vmem_shared>>) offsets(%dma_start3A_148 : memref<128xi32, #tpu.memory_space<vmem>>) semaphore(%run_scoped3A_141 : memref<!tpu.dma_semaphore, #tpu.memory_space<semaphore_mem>>) {add = true}
        %dma_wait3A_152 = arith.constant 0 : i32
        %dma_wait3A_153 = arith.constant 0 : i32
        %dma_wait3A_154 = tpu.memref_slice %arg9[%run_scoped3A_132, %dma_wait3A_152, %dma_wait3A_153] : memref<2x128x128xf32, #tpu.memory_space<vmem>> -> memref<1x128x128xf32, #tpu.memory_space<vmem>>
        %dma_wait3A_155 = tpu.memref_squeeze %dma_wait3A_154 : memref<1x128x128xf32, #tpu.memory_space<vmem>> -> memref<128x128xf32, #tpu.memory_space<vmem>>
        %dma_wait3A_156 = arith.constant 0 : i32
        %dma_wait3A_157 = tpu.memref_slice %arg8[%add3A_120, %dma_wait3A_156] : memref<40x128xi32, #tpu.memory_space<vmem>> -> memref<1x128xi32, #tpu.memory_space<vmem>>
        %dma_wait3A_158 = tpu.memref_squeeze %dma_wait3A_157 : memref<1x128xi32, #tpu.memory_space<vmem>> -> memref<128xi32, #tpu.memory_space<vmem>>
        %dma_wait3A_159 = arith.constant 0 : i32
        %dma_wait3A_160 = arith.constant 0 : i32
        %dma_wait3A_161 = tpu.memref_slice %arg6[%dma_wait3A_159, %dma_wait3A_160] : memref<10112x128xf32, #tpu.memory_space<vmem_shared>> -> memref<10112x128xf32, #tpu.memory_space<vmem_shared>>
        tpu.wait_indirect_dma semaphore(%run_scoped3A_141 : memref<!tpu.dma_semaphore, #tpu.memory_space<semaphore_mem>>) src(%dma_wait3A_155 : memref<128x128xf32, #tpu.memory_space<vmem>>) dst(%dma_wait3A_161 : memref<10112x128xf32, #tpu.memory_space<vmem_shared>>)
        tpu.yield
      }) : () -> ()
      %add3A_133 = arith.constant 2 : i32
      %add3A_134 = arith.addi %add3A_120, %add3A_133 : i32
      %lt3A_135 = arith.constant 40 : i32
      %lt3A_136 = arith.cmpi slt, %add3A_134, %lt3A_135 : i32
      %convert_element_type3A_137 = arith.extui %lt3A_136 : i1 to i32
      %cond3A_138 = arith.constant 0 : i32
      %cond3A_139 = arith.cmpi ne, %convert_element_type3A_137, %cond3A_138 : i32
      scf.if %cond3A_139 {
        %add3A_141 = arith.constant 2 : i32
        %add3A_142 = arith.addi %add3A_120, %add3A_141 : i32
        %dma_start3A_143 = arith.constant 1 : i32
        %dma_start3A_144 = arith.constant 0 : i32
        %dma_start3A_145 = arith.constant 0 : i32
        %dma_start3A_146 = tpu.memref_slice %arg9[%dma_start3A_143, %dma_start3A_144, %dma_start3A_145] : memref<2x128x128xf32, #tpu.memory_space<vmem>> -> memref<1x128x128xf32, #tpu.memory_space<vmem>>
        %dma_start3A_147 = tpu.memref_squeeze %dma_start3A_146 : memref<1x128x128xf32, #tpu.memory_space<vmem>> -> memref<128x128xf32, #tpu.memory_space<vmem>>
        %dma_start3A_148 = arith.constant 0 : i32
        %dma_start3A_149 = tpu.memref_slice %arg7[%add3A_142, %dma_start3A_148] : memref<40x128xi32, #tpu.memory_space<vmem>> -> memref<1x128xi32, #tpu.memory_space<vmem>>
        %dma_start3A_150 = tpu.memref_squeeze %dma_start3A_149 : memref<1x128xi32, #tpu.memory_space<vmem>> -> memref<128xi32, #tpu.memory_space<vmem>>
        %dma_start3A_151 = arith.constant 0 : i32
        %dma_start3A_152 = arith.constant 0 : i32
        %dma_start3A_153 = tpu.memref_slice %arg2[%dma_start3A_151, %dma_start3A_152] : memref<10000x128xf32, #tpu.memory_space<hbm>> -> memref<10000x128xf32, #tpu.memory_space<hbm>>
        tpu.enqueue_indirect_dma source(%dma_start3A_153 : memref<10000x128xf32, #tpu.memory_space<hbm>>) target(%dma_start3A_147 : memref<128x128xf32, #tpu.memory_space<vmem>>) offsets(%dma_start3A_150 : memref<128xi32, #tpu.memory_space<vmem>>) semaphore(%arg11 : memref<!tpu.dma_semaphore, #tpu.memory_space<semaphore_mem>>)
      } else {
      }
      %scan3A_140 = arith.constant 0 : i32
      scf.yield %scan3A_140 : i32
    }
    %scan3A_61 = arith.constant 20 : i32
    "tpu.trace_stop"() : () -> ()
    "tpu.region"() ({
      %run_scoped3A_98 = tpu.sem_alloc : memref<!tpu.dma_semaphore, #tpu.memory_space<semaphore_mem>>
      %dma_start3A_99 = arith.constant 40 : i32
      %dma_start3A_100 = arith.constant 0 : i32
      %dma_start3A_101 = tpu.memref_slice %arg3[%add3A, %dma_start3A_99, %dma_start3A_100] : memref<32x80x128xi32, #tpu.memory_space<hbm>> -> memref<1x40x128xi32, #tpu.memory_space<hbm>>
      %dma_start3A_102 = tpu.memref_squeeze %dma_start3A_101 : memref<1x40x128xi32, #tpu.memory_space<hbm>> -> memref<40x128xi32, #tpu.memory_space<hbm>>
      %dma_start3A_103 = arith.constant 40 : i32
      %dma_start3A_104 = arith.constant 0 : i32
      %dma_start3A_105 = tpu.memref_slice %arg3[%add3A, %dma_start3A_103, %dma_start3A_104] : memref<32x80x128xi32, #tpu.memory_space<hbm>> -> memref<1x40x128xi32, #tpu.memory_space<hbm>>
      %dma_start3A_106 = tpu.memref_squeeze %dma_start3A_105 : memref<1x40x128xi32, #tpu.memory_space<hbm>> -> memref<40x128xi32, #tpu.memory_space<hbm>>
      tpu.enqueue_dma source(%dma_start3A_106 : memref<40x128xi32, #tpu.memory_space<hbm>>) target(%arg7 : memref<40x128xi32, #tpu.memory_space<vmem>>) target_semaphore(%run_scoped3A_98 : memref<!tpu.dma_semaphore, #tpu.memory_space<semaphore_mem>>)
      %dma_wait3A = arith.constant 40 : i32
      %dma_wait3A_107 = arith.constant 0 : i32
      %dma_wait3A_108 = tpu.memref_slice %arg3[%add3A, %dma_wait3A, %dma_wait3A_107] : memref<32x80x128xi32, #tpu.memory_space<hbm>> -> memref<1x40x128xi32, #tpu.memory_space<hbm>>
      %dma_wait3A_109 = tpu.memref_squeeze %dma_wait3A_108 : memref<1x40x128xi32, #tpu.memory_space<hbm>> -> memref<40x128xi32, #tpu.memory_space<hbm>>
      %dma_wait3A_110 = arith.constant 40 : i32
      %dma_wait3A_111 = arith.constant 0 : i32
      %dma_wait3A_112 = tpu.memref_slice %arg3[%add3A, %dma_wait3A_110, %dma_wait3A_111] : memref<32x80x128xi32, #tpu.memory_space<hbm>> -> memref<1x40x128xi32, #tpu.memory_space<hbm>>
      %dma_wait3A_113 = tpu.memref_squeeze %dma_wait3A_112 : memref<1x40x128xi32, #tpu.memory_space<hbm>> -> memref<40x128xi32, #tpu.memory_space<hbm>>
      tpu.wait_dma2 semaphore(%run_scoped3A_98 : memref<!tpu.dma_semaphore, #tpu.memory_space<semaphore_mem>>) src(%dma_wait3A_113 : memref<40x128xi32, #tpu.memory_space<hbm>>) dst(%arg7 : memref<40x128xi32, #tpu.memory_space<vmem>>)
      tpu.yield
    }) : () -> ()
    "tpu.region"() ({
      %run_scoped3A_98 = tpu.sem_alloc : memref<!tpu.dma_semaphore, #tpu.memory_space<semaphore_mem>>
      %dma_start3A_99 = arith.constant 40 : i32
      %dma_start3A_100 = arith.constant 0 : i32
      %dma_start3A_101 = tpu.memref_slice %arg4[%add3A, %dma_start3A_99, %dma_start3A_100] : memref<32x80x128xi32, #tpu.memory_space<hbm>> -> memref<1x40x128xi32, #tpu.memory_space<hbm>>
      %dma_start3A_102 = tpu.memref_squeeze %dma_start3A_101 : memref<1x40x128xi32, #tpu.memory_space<hbm>> -> memref<40x128xi32, #tpu.memory_space<hbm>>
      %dma_start3A_103 = arith.constant 40 : i32
      %dma_start3A_104 = arith.constant 0 : i32
      %dma_start3A_105 = tpu.memref_slice %arg4[%add3A, %dma_start3A_103, %dma_start3A_104] : memref<32x80x128xi32, #tpu.memory_space<hbm>> -> memref<1x40x128xi32, #tpu.memory_space<hbm>>
      %dma_start3A_106 = tpu.memref_squeeze %dma_start3A_105 : memref<1x40x128xi32, #tpu.memory_space<hbm>> -> memref<40x128xi32, #tpu.memory_space<hbm>>
      tpu.enqueue_dma source(%dma_start3A_106 : memref<40x128xi32, #tpu.memory_space<hbm>>) target(%arg8 : memref<40x128xi32, #tpu.memory_space<vmem>>) target_semaphore(%run_scoped3A_98 : memref<!tpu.dma_semaphore, #tpu.memory_space<semaphore_mem>>)
      %dma_wait3A = arith.constant 40 : i32
      %dma_wait3A_107 = arith.constant 0 : i32
      %dma_wait3A_108 = tpu.memref_slice %arg4[%add3A, %dma_wait3A, %dma_wait3A_107] : memref<32x80x128xi32, #tpu.memory_space<hbm>> -> memref<1x40x128xi32, #tpu.memory_space<hbm>>
      %dma_wait3A_109 = tpu.memref_squeeze %dma_wait3A_108 : memref<1x40x128xi32, #tpu.memory_space<hbm>> -> memref<40x128xi32, #tpu.memory_space<hbm>>
      %dma_wait3A_110 = arith.constant 40 : i32
      %dma_wait3A_111 = arith.constant 0 : i32
      %dma_wait3A_112 = tpu.memref_slice %arg4[%add3A, %dma_wait3A_110, %dma_wait3A_111] : memref<32x80x128xi32, #tpu.memory_space<hbm>> -> memref<1x40x128xi32, #tpu.memory_space<hbm>>
      %dma_wait3A_113 = tpu.memref_squeeze %dma_wait3A_112 : memref<1x40x128xi32, #tpu.memory_space<hbm>> -> memref<40x128xi32, #tpu.memory_space<hbm>>
      tpu.wait_dma2 semaphore(%run_scoped3A_98 : memref<!tpu.dma_semaphore, #tpu.memory_space<semaphore_mem>>) src(%dma_wait3A_113 : memref<40x128xi32, #tpu.memory_space<hbm>>) dst(%arg8 : memref<40x128xi32, #tpu.memory_space<vmem>>)
      tpu.yield
    }) : () -> ()
    %dma_start3A_62 = arith.constant 0 : i32
    %dma_start3A_63 = arith.constant 0 : i32
    %dma_start3A_64 = arith.constant 0 : i32
    %dma_start3A_65 = arith.constant 0 : i32
    %dma_start3A_66 = tpu.memref_slice %arg9[%dma_start3A_63, %dma_start3A_64, %dma_start3A_65] : memref<2x128x128xf32, #tpu.memory_space<vmem>> -> memref<1x128x128xf32, #tpu.memory_space<vmem>>
    %dma_start3A_67 = tpu.memref_squeeze %dma_start3A_66 : memref<1x128x128xf32, #tpu.memory_space<vmem>> -> memref<128x128xf32, #tpu.memory_space<vmem>>
    %dma_start3A_68 = arith.constant 0 : i32
    %dma_start3A_69 = tpu.memref_slice %arg7[%dma_start3A_62, %dma_start3A_68] : memref<40x128xi32, #tpu.memory_space<vmem>> -> memref<1x128xi32, #tpu.memory_space<vmem>>
    %dma_start3A_70 = tpu.memref_squeeze %dma_start3A_69 : memref<1x128xi32, #tpu.memory_space<vmem>> -> memref<128xi32, #tpu.memory_space<vmem>>
    %dma_start3A_71 = arith.constant 0 : i32
    %dma_start3A_72 = arith.constant 0 : i32
    %dma_start3A_73 = tpu.memref_slice %arg2[%dma_start3A_71, %dma_start3A_72] : memref<10000x128xf32, #tpu.memory_space<hbm>> -> memref<10000x128xf32, #tpu.memory_space<hbm>>
    tpu.enqueue_indirect_dma source(%dma_start3A_73 : memref<10000x128xf32, #tpu.memory_space<hbm>>) target(%dma_start3A_67 : memref<128x128xf32, #tpu.memory_space<vmem>>) offsets(%dma_start3A_70 : memref<128xi32, #tpu.memory_space<vmem>>) semaphore(%arg10 : memref<!tpu.dma_semaphore, #tpu.memory_space<semaphore_mem>>)
    %dma_start3A_74 = arith.constant 1 : i32
    %dma_start3A_75 = arith.constant 1 : i32
    %dma_start3A_76 = arith.constant 0 : i32
    %dma_start3A_77 = arith.constant 0 : i32
    %dma_start3A_78 = tpu.memref_slice %arg9[%dma_start3A_75, %dma_start3A_76, %dma_start3A_77] : memref<2x128x128xf32, #tpu.memory_space<vmem>> -> memref<1x128x128xf32, #tpu.memory_space<vmem>>
    %dma_start3A_79 = tpu.memref_squeeze %dma_start3A_78 : memref<1x128x128xf32, #tpu.memory_space<vmem>> -> memref<128x128xf32, #tpu.memory_space<vmem>>
    %dma_start3A_80 = arith.constant 0 : i32
    %dma_start3A_81 = tpu.memref_slice %arg7[%dma_start3A_74, %dma_start3A_80] : memref<40x128xi32, #tpu.memory_space<vmem>> -> memref<1x128xi32, #tpu.memory_space<vmem>>
    %dma_start3A_82 = tpu.memref_squeeze %dma_start3A_81 : memref<1x128xi32, #tpu.memory_space<vmem>> -> memref<128xi32, #tpu.memory_space<vmem>>
    %dma_start3A_83 = arith.constant 0 : i32
    %dma_start3A_84 = arith.constant 0 : i32
    %dma_start3A_85 = tpu.memref_slice %arg2[%dma_start3A_83, %dma_start3A_84] : memref<10000x128xf32, #tpu.memory_space<hbm>> -> memref<10000x128xf32, #tpu.memory_space<hbm>>
    tpu.enqueue_indirect_dma source(%dma_start3A_85 : memref<10000x128xf32, #tpu.memory_space<hbm>>) target(%dma_start3A_79 : memref<128x128xf32, #tpu.memory_space<vmem>>) offsets(%dma_start3A_82 : memref<128xi32, #tpu.memory_space<vmem>>) semaphore(%arg11 : memref<!tpu.dma_semaphore, #tpu.memory_space<semaphore_mem>>)
    "tpu.trace_start"() <{level = 10 : i32, message = "edges_half1"}> : () -> ()
    %scan3A_86 = arith.constant 0 : i32
    %scan3A_87 = arith.constant 0 : i32
    %scan3A_88 = arith.constant 20 : i32
    %scan3A_89 = arith.addi %scan3A_87, %scan3A_88 : i32
    %scan3A_90 = arith.constant 1 : i32
    %scan3A_91 = scf.for %scan3A_98 = %scan3A_87 to %scan3A_89 step %scan3A_90 iter_args(%scan3A_99 = %scan3A_86) -> (i32)  : i32 {
      %mul3A_100 = arith.constant 2 : i32
      %mul3A_101 = arith.muli %scan3A_98, %mul3A_100 : i32
      %add3A_102 = arith.constant 0 : i32
      %add3A_103 = arith.addi %mul3A_101, %add3A_102 : i32
      %dma_wait3A = arith.constant 0 : i32
      %dma_wait3A_104 = arith.constant 0 : i32
      %dma_wait3A_105 = arith.constant 0 : i32
      %dma_wait3A_106 = tpu.memref_slice %arg9[%dma_wait3A, %dma_wait3A_104, %dma_wait3A_105] : memref<2x128x128xf32, #tpu.memory_space<vmem>> -> memref<1x128x128xf32, #tpu.memory_space<vmem>>
      %dma_wait3A_107 = tpu.memref_squeeze %dma_wait3A_106 : memref<1x128x128xf32, #tpu.memory_space<vmem>> -> memref<128x128xf32, #tpu.memory_space<vmem>>
      %dma_wait3A_108 = arith.constant 0 : i32
      %dma_wait3A_109 = tpu.memref_slice %arg7[%add3A_103, %dma_wait3A_108] : memref<40x128xi32, #tpu.memory_space<vmem>> -> memref<1x128xi32, #tpu.memory_space<vmem>>
      %dma_wait3A_110 = tpu.memref_squeeze %dma_wait3A_109 : memref<1x128xi32, #tpu.memory_space<vmem>> -> memref<128xi32, #tpu.memory_space<vmem>>
      %dma_wait3A_111 = arith.constant 0 : i32
      %dma_wait3A_112 = arith.constant 0 : i32
      %dma_wait3A_113 = tpu.memref_slice %arg2[%dma_wait3A_111, %dma_wait3A_112] : memref<10000x128xf32, #tpu.memory_space<hbm>> -> memref<10000x128xf32, #tpu.memory_space<hbm>>
      tpu.wait_indirect_dma semaphore(%arg10 : memref<!tpu.dma_semaphore, #tpu.memory_space<semaphore_mem>>) src(%dma_wait3A_113 : memref<10000x128xf32, #tpu.memory_space<hbm>>) dst(%dma_wait3A_107 : memref<128x128xf32, #tpu.memory_space<vmem>>)
      %run_scoped3A_114 = arith.constant 0 : i32
      "tpu.region"() ({
        %run_scoped3A_141 = tpu.sem_alloc : memref<!tpu.dma_semaphore, #tpu.memory_space<semaphore_mem>>
        %dma_start3A_142 = arith.constant 0 : i32
        %dma_start3A_143 = arith.constant 0 : i32
        %dma_start3A_144 = tpu.memref_slice %arg9[%run_scoped3A_114, %dma_start3A_142, %dma_start3A_143] : memref<2x128x128xf32, #tpu.memory_space<vmem>> -> memref<1x128x128xf32, #tpu.memory_space<vmem>>
        %dma_start3A_145 = tpu.memref_squeeze %dma_start3A_144 : memref<1x128x128xf32, #tpu.memory_space<vmem>> -> memref<128x128xf32, #tpu.memory_space<vmem>>
        %dma_start3A_146 = arith.constant 0 : i32
        %dma_start3A_147 = tpu.memref_slice %arg8[%add3A_103, %dma_start3A_146] : memref<40x128xi32, #tpu.memory_space<vmem>> -> memref<1x128xi32, #tpu.memory_space<vmem>>
        %dma_start3A_148 = tpu.memref_squeeze %dma_start3A_147 : memref<1x128xi32, #tpu.memory_space<vmem>> -> memref<128xi32, #tpu.memory_space<vmem>>
        %dma_start3A_149 = arith.constant 0 : i32
        %dma_start3A_150 = arith.constant 0 : i32
        %dma_start3A_151 = tpu.memref_slice %arg6[%dma_start3A_149, %dma_start3A_150] : memref<10112x128xf32, #tpu.memory_space<vmem_shared>> -> memref<10112x128xf32, #tpu.memory_space<vmem_shared>>
        tpu.enqueue_indirect_dma source(%dma_start3A_145 : memref<128x128xf32, #tpu.memory_space<vmem>>) target(%dma_start3A_151 : memref<10112x128xf32, #tpu.memory_space<vmem_shared>>) offsets(%dma_start3A_148 : memref<128xi32, #tpu.memory_space<vmem>>) semaphore(%run_scoped3A_141 : memref<!tpu.dma_semaphore, #tpu.memory_space<semaphore_mem>>) {add = true}
        %dma_wait3A_152 = arith.constant 0 : i32
        %dma_wait3A_153 = arith.constant 0 : i32
        %dma_wait3A_154 = tpu.memref_slice %arg9[%run_scoped3A_114, %dma_wait3A_152, %dma_wait3A_153] : memref<2x128x128xf32, #tpu.memory_space<vmem>> -> memref<1x128x128xf32, #tpu.memory_space<vmem>>
        %dma_wait3A_155 = tpu.memref_squeeze %dma_wait3A_154 : memref<1x128x128xf32, #tpu.memory_space<vmem>> -> memref<128x128xf32, #tpu.memory_space<vmem>>
        %dma_wait3A_156 = arith.constant 0 : i32
        %dma_wait3A_157 = tpu.memref_slice %arg8[%add3A_103, %dma_wait3A_156] : memref<40x128xi32, #tpu.memory_space<vmem>> -> memref<1x128xi32, #tpu.memory_space<vmem>>
        %dma_wait3A_158 = tpu.memref_squeeze %dma_wait3A_157 : memref<1x128xi32, #tpu.memory_space<vmem>> -> memref<128xi32, #tpu.memory_space<vmem>>
        %dma_wait3A_159 = arith.constant 0 : i32
        %dma_wait3A_160 = arith.constant 0 : i32
        %dma_wait3A_161 = tpu.memref_slice %arg6[%dma_wait3A_159, %dma_wait3A_160] : memref<10112x128xf32, #tpu.memory_space<vmem_shared>> -> memref<10112x128xf32, #tpu.memory_space<vmem_shared>>
        tpu.wait_indirect_dma semaphore(%run_scoped3A_141 : memref<!tpu.dma_semaphore, #tpu.memory_space<semaphore_mem>>) src(%dma_wait3A_155 : memref<128x128xf32, #tpu.memory_space<vmem>>) dst(%dma_wait3A_161 : memref<10112x128xf32, #tpu.memory_space<vmem_shared>>)
        tpu.yield
      }) : () -> ()
      %add3A_115 = arith.constant 2 : i32
      %add3A_116 = arith.addi %add3A_103, %add3A_115 : i32
      %lt3A = arith.constant 40 : i32
      %lt3A_117 = arith.cmpi slt, %add3A_116, %lt3A : i32
      %convert_element_type3A = arith.extui %lt3A_117 : i1 to i32
      %cond3A = arith.constant 0 : i32
      %cond3A_118 = arith.cmpi ne, %convert_element_type3A, %cond3A : i32
      scf.if %cond3A_118 {
        %add3A_141 = arith.constant 2 : i32
        %add3A_142 = arith.addi %add3A_103, %add3A_141 : i32
        %dma_start3A_143 = arith.constant 0 : i32
        %dma_start3A_144 = arith.constant 0 : i32
        %dma_start3A_145 = arith.constant 0 : i32
        %dma_start3A_146 = tpu.memref_slice %arg9[%dma_start3A_143, %dma_start3A_144, %dma_start3A_145] : memref<2x128x128xf32, #tpu.memory_space<vmem>> -> memref<1x128x128xf32, #tpu.memory_space<vmem>>
        %dma_start3A_147 = tpu.memref_squeeze %dma_start3A_146 : memref<1x128x128xf32, #tpu.memory_space<vmem>> -> memref<128x128xf32, #tpu.memory_space<vmem>>
        %dma_start3A_148 = arith.constant 0 : i32
        %dma_start3A_149 = tpu.memref_slice %arg7[%add3A_142, %dma_start3A_148] : memref<40x128xi32, #tpu.memory_space<vmem>> -> memref<1x128xi32, #tpu.memory_space<vmem>>
        %dma_start3A_150 = tpu.memref_squeeze %dma_start3A_149 : memref<1x128xi32, #tpu.memory_space<vmem>> -> memref<128xi32, #tpu.memory_space<vmem>>
        %dma_start3A_151 = arith.constant 0 : i32
        %dma_start3A_152 = arith.constant 0 : i32
        %dma_start3A_153 = tpu.memref_slice %arg2[%dma_start3A_151, %dma_start3A_152] : memref<10000x128xf32, #tpu.memory_space<hbm>> -> memref<10000x128xf32, #tpu.memory_space<hbm>>
        tpu.enqueue_indirect_dma source(%dma_start3A_153 : memref<10000x128xf32, #tpu.memory_space<hbm>>) target(%dma_start3A_147 : memref<128x128xf32, #tpu.memory_space<vmem>>) offsets(%dma_start3A_150 : memref<128xi32, #tpu.memory_space<vmem>>) semaphore(%arg10 : memref<!tpu.dma_semaphore, #tpu.memory_space<semaphore_mem>>)
      } else {
      }
      %add3A_119 = arith.constant 1 : i32
      %add3A_120 = arith.addi %mul3A_101, %add3A_119 : i32
      %dma_wait3A_121 = arith.constant 1 : i32
      %dma_wait3A_122 = arith.constant 0 : i32
      %dma_wait3A_123 = arith.constant 0 : i32
      %dma_wait3A_124 = tpu.memref_slice %arg9[%dma_wait3A_121, %dma_wait3A_122, %dma_wait3A_123] : memref<2x128x128xf32, #tpu.memory_space<vmem>> -> memref<1x128x128xf32, #tpu.memory_space<vmem>>
      %dma_wait3A_125 = tpu.memref_squeeze %dma_wait3A_124 : memref<1x128x128xf32, #tpu.memory_space<vmem>> -> memref<128x128xf32, #tpu.memory_space<vmem>>
      %dma_wait3A_126 = arith.constant 0 : i32
      %dma_wait3A_127 = tpu.memref_slice %arg7[%add3A_120, %dma_wait3A_126] : memref<40x128xi32, #tpu.memory_space<vmem>> -> memref<1x128xi32, #tpu.memory_space<vmem>>
      %dma_wait3A_128 = tpu.memref_squeeze %dma_wait3A_127 : memref<1x128xi32, #tpu.memory_space<vmem>> -> memref<128xi32, #tpu.memory_space<vmem>>
      %dma_wait3A_129 = arith.constant 0 : i32
      %dma_wait3A_130 = arith.constant 0 : i32
      %dma_wait3A_131 = tpu.memref_slice %arg2[%dma_wait3A_129, %dma_wait3A_130] : memref<10000x128xf32, #tpu.memory_space<hbm>> -> memref<10000x128xf32, #tpu.memory_space<hbm>>
      tpu.wait_indirect_dma semaphore(%arg11 : memref<!tpu.dma_semaphore, #tpu.memory_space<semaphore_mem>>) src(%dma_wait3A_131 : memref<10000x128xf32, #tpu.memory_space<hbm>>) dst(%dma_wait3A_125 : memref<128x128xf32, #tpu.memory_space<vmem>>)
      %run_scoped3A_132 = arith.constant 1 : i32
      "tpu.region"() ({
        %run_scoped3A_141 = tpu.sem_alloc : memref<!tpu.dma_semaphore, #tpu.memory_space<semaphore_mem>>
        %dma_start3A_142 = arith.constant 0 : i32
        %dma_start3A_143 = arith.constant 0 : i32
        %dma_start3A_144 = tpu.memref_slice %arg9[%run_scoped3A_132, %dma_start3A_142, %dma_start3A_143] : memref<2x128x128xf32, #tpu.memory_space<vmem>> -> memref<1x128x128xf32, #tpu.memory_space<vmem>>
        %dma_start3A_145 = tpu.memref_squeeze %dma_start3A_144 : memref<1x128x128xf32, #tpu.memory_space<vmem>> -> memref<128x128xf32, #tpu.memory_space<vmem>>
        %dma_start3A_146 = arith.constant 0 : i32
        %dma_start3A_147 = tpu.memref_slice %arg8[%add3A_120, %dma_start3A_146] : memref<40x128xi32, #tpu.memory_space<vmem>> -> memref<1x128xi32, #tpu.memory_space<vmem>>
        %dma_start3A_148 = tpu.memref_squeeze %dma_start3A_147 : memref<1x128xi32, #tpu.memory_space<vmem>> -> memref<128xi32, #tpu.memory_space<vmem>>
        %dma_start3A_149 = arith.constant 0 : i32
        %dma_start3A_150 = arith.constant 0 : i32
        %dma_start3A_151 = tpu.memref_slice %arg6[%dma_start3A_149, %dma_start3A_150] : memref<10112x128xf32, #tpu.memory_space<vmem_shared>> -> memref<10112x128xf32, #tpu.memory_space<vmem_shared>>
        tpu.enqueue_indirect_dma source(%dma_start3A_145 : memref<128x128xf32, #tpu.memory_space<vmem>>) target(%dma_start3A_151 : memref<10112x128xf32, #tpu.memory_space<vmem_shared>>) offsets(%dma_start3A_148 : memref<128xi32, #tpu.memory_space<vmem>>) semaphore(%run_scoped3A_141 : memref<!tpu.dma_semaphore, #tpu.memory_space<semaphore_mem>>) {add = true}
        %dma_wait3A_152 = arith.constant 0 : i32
        %dma_wait3A_153 = arith.constant 0 : i32
        %dma_wait3A_154 = tpu.memref_slice %arg9[%run_scoped3A_132, %dma_wait3A_152, %dma_wait3A_153] : memref<2x128x128xf32, #tpu.memory_space<vmem>> -> memref<1x128x128xf32, #tpu.memory_space<vmem>>
        %dma_wait3A_155 = tpu.memref_squeeze %dma_wait3A_154 : memref<1x128x128xf32, #tpu.memory_space<vmem>> -> memref<128x128xf32, #tpu.memory_space<vmem>>
        %dma_wait3A_156 = arith.constant 0 : i32
        %dma_wait3A_157 = tpu.memref_slice %arg8[%add3A_120, %dma_wait3A_156] : memref<40x128xi32, #tpu.memory_space<vmem>> -> memref<1x128xi32, #tpu.memory_space<vmem>>
        %dma_wait3A_158 = tpu.memref_squeeze %dma_wait3A_157 : memref<1x128xi32, #tpu.memory_space<vmem>> -> memref<128xi32, #tpu.memory_space<vmem>>
        %dma_wait3A_159 = arith.constant 0 : i32
        %dma_wait3A_160 = arith.constant 0 : i32
        %dma_wait3A_161 = tpu.memref_slice %arg6[%dma_wait3A_159, %dma_wait3A_160] : memref<10112x128xf32, #tpu.memory_space<vmem_shared>> -> memref<10112x128xf32, #tpu.memory_space<vmem_shared>>
        tpu.wait_indirect_dma semaphore(%run_scoped3A_141 : memref<!tpu.dma_semaphore, #tpu.memory_space<semaphore_mem>>) src(%dma_wait3A_155 : memref<128x128xf32, #tpu.memory_space<vmem>>) dst(%dma_wait3A_161 : memref<10112x128xf32, #tpu.memory_space<vmem_shared>>)
        tpu.yield
      }) : () -> ()
      %add3A_133 = arith.constant 2 : i32
      %add3A_134 = arith.addi %add3A_120, %add3A_133 : i32
      %lt3A_135 = arith.constant 40 : i32
      %lt3A_136 = arith.cmpi slt, %add3A_134, %lt3A_135 : i32
      %convert_element_type3A_137 = arith.extui %lt3A_136 : i1 to i32
      %cond3A_138 = arith.constant 0 : i32
      %cond3A_139 = arith.cmpi ne, %convert_element_type3A_137, %cond3A_138 : i32
      scf.if %cond3A_139 {
        %add3A_141 = arith.constant 2 : i32
        %add3A_142 = arith.addi %add3A_120, %add3A_141 : i32
        %dma_start3A_143 = arith.constant 1 : i32
        %dma_start3A_144 = arith.constant 0 : i32
        %dma_start3A_145 = arith.constant 0 : i32
        %dma_start3A_146 = tpu.memref_slice %arg9[%dma_start3A_143, %dma_start3A_144, %dma_start3A_145] : memref<2x128x128xf32, #tpu.memory_space<vmem>> -> memref<1x128x128xf32, #tpu.memory_space<vmem>>
        %dma_start3A_147 = tpu.memref_squeeze %dma_start3A_146 : memref<1x128x128xf32, #tpu.memory_space<vmem>> -> memref<128x128xf32, #tpu.memory_space<vmem>>
        %dma_start3A_148 = arith.constant 0 : i32
        %dma_start3A_149 = tpu.memref_slice %arg7[%add3A_142, %dma_start3A_148] : memref<40x128xi32, #tpu.memory_space<vmem>> -> memref<1x128xi32, #tpu.memory_space<vmem>>
        %dma_start3A_150 = tpu.memref_squeeze %dma_start3A_149 : memref<1x128xi32, #tpu.memory_space<vmem>> -> memref<128xi32, #tpu.memory_space<vmem>>
        %dma_start3A_151 = arith.constant 0 : i32
        %dma_start3A_152 = arith.constant 0 : i32
        %dma_start3A_153 = tpu.memref_slice %arg2[%dma_start3A_151, %dma_start3A_152] : memref<10000x128xf32, #tpu.memory_space<hbm>> -> memref<10000x128xf32, #tpu.memory_space<hbm>>
        tpu.enqueue_indirect_dma source(%dma_start3A_153 : memref<10000x128xf32, #tpu.memory_space<hbm>>) target(%dma_start3A_147 : memref<128x128xf32, #tpu.memory_space<vmem>>) offsets(%dma_start3A_150 : memref<128xi32, #tpu.memory_space<vmem>>) semaphore(%arg11 : memref<!tpu.dma_semaphore, #tpu.memory_space<semaphore_mem>>)
      } else {
      }
      %scan3A_140 = arith.constant 0 : i32
      scf.yield %scan3A_140 : i32
    }
    %scan3A_92 = arith.constant 20 : i32
    "tpu.trace_stop"() : () -> ()
    "tpu.trace_start"() <{level = 10 : i32, message = "edge_barrier"}> : () -> ()
    %barrier3A_93 = arith.constant 0 : index
    tpu.barrier barrier_id(%barrier3A_93)
    "tpu.trace_stop"() : () -> ()
    "tpu.trace_start"() <{level = 10 : i32, message = "dump"}> : () -> ()
    %mul3A_94 = arith.constant 632 : i32
    %mul3A_95 = arith.muli %arg1, %mul3A_94 : i32
    %mul3A_96 = arith.constant 632 : i32
    %mul3A_97 = arith.muli %arg1, %mul3A_96 : i32
    "tpu.region"() ({
      %run_scoped3A_98 = tpu.sem_alloc : memref<!tpu.dma_semaphore, #tpu.memory_space<semaphore_mem>>
      %dma_start3A_99 = arith.constant 0 : i32
      %dma_start3A_100 = tpu.memref_slice %arg5[%arg0, %mul3A_97, %dma_start3A_99] : memref<2x10112x128xf32, #tpu.memory_space<hbm>> -> memref<1x632x128xf32, #tpu.memory_space<hbm>>
      %dma_start3A_101 = tpu.memref_squeeze %dma_start3A_100 : memref<1x632x128xf32, #tpu.memory_space<hbm>> -> memref<632x128xf32, #tpu.memory_space<hbm>>
      %dma_start3A_102 = arith.constant 0 : i32
      %dma_start3A_103 = tpu.memref_slice %arg6[%mul3A_95, %dma_start3A_102] : memref<10112x128xf32, #tpu.memory_space<vmem_shared>> -> memref<632x128xf32, #tpu.memory_space<vmem_shared>>
      tpu.enqueue_dma source(%dma_start3A_103 : memref<632x128xf32, #tpu.memory_space<vmem_shared>>) target(%dma_start3A_101 : memref<632x128xf32, #tpu.memory_space<hbm>>) target_semaphore(%run_scoped3A_98 : memref<!tpu.dma_semaphore, #tpu.memory_space<semaphore_mem>>)
      %dma_wait3A = arith.constant 0 : i32
      %dma_wait3A_104 = tpu.memref_slice %arg5[%arg0, %mul3A_97, %dma_wait3A] : memref<2x10112x128xf32, #tpu.memory_space<hbm>> -> memref<1x632x128xf32, #tpu.memory_space<hbm>>
      %dma_wait3A_105 = tpu.memref_squeeze %dma_wait3A_104 : memref<1x632x128xf32, #tpu.memory_space<hbm>> -> memref<632x128xf32, #tpu.memory_space<hbm>>
      %dma_wait3A_106 = arith.constant 0 : i32
      %dma_wait3A_107 = tpu.memref_slice %arg6[%mul3A_95, %dma_wait3A_106] : memref<10112x128xf32, #tpu.memory_space<vmem_shared>> -> memref<632x128xf32, #tpu.memory_space<vmem_shared>>
      tpu.wait_dma2 semaphore(%run_scoped3A_98 : memref<!tpu.dma_semaphore, #tpu.memory_space<semaphore_mem>>) src(%dma_wait3A_107 : memref<632x128xf32, #tpu.memory_space<vmem_shared>>) dst(%dma_wait3A_105 : memref<632x128xf32, #tpu.memory_space<hbm>>)
      tpu.yield
    }) : () -> ()
    "tpu.trace_stop"() : () -> ()
    return
  }
}

</mosaic_0001>

<sc_bundles>
// kernel: _sc_aggregate.3.cloned.1.call-start
scs
__scs_entry_jumppad:
0x0: {  	(pc) =	sbr.rel $0x88, $3  }
0x1: {  	(tag) =	ssettag $0x0;
	lr =	simm.s32 $0x1  }
0x2: {  	[smem:$0x3F9E] =	sst lr;
	_ =	strace $0xD0000000  }
0x3: {  	_ = 	snop  }
0x4: {  	_ = 	snop  }
0x5: {  	_ = 	snop  }
0x6: {  	_ = 	snop  }
0x7: {  	_ = 	snop  }
__scs_overlays_trampoline_lowered:
0x8: {  	[smem:$0x3FAD] =	sst s0  }
0x9: {  	[smem:$0x3FAE] =	sst s1  }
0xa: {  	[smem:$0x3FAF] =	sst s2  }
0xb: {  	[smem:$0x3FB0] =	sst s3  }
0xc: {  	[smem:$0x3FB1] =	sst s4  }
0xd: {  	[smem:$0x3FB2] =	sst s5  }
0xe: {  	[smem:$0x3FB3] =	sst s6  }
0xf: {  	[smem:$0x3FB4] =	sst s7  }
0x10: {  	[smem:$0x3FB5] =	sst s8  }
0x11: {  	[smem:$0x3FB6] =	sst s9;
	s0 =	simm.s32 @!p0 $0x0  }
0x12: {  	s1 =	sld [smem:$0x3F9C];
	s0 =	simm.s32 @p0 $0x1  }
0x13: {  	[smem:$0x3FB7] =	sst s0;
	s0 =	simm.s32 @!p1 $0x0  }
0x14: {  	s2 =	sld [smem:$0x3F9B];
	s0 =	simm.s32 @p1 $0x1  }
0x15: {  	[smem:$0x3FB8] =	sst s0;
	s0 =	simm.s32 @!p2 $0x0  }
0x16: {  	s3 =	sld [smem:$0x3FDB];
	s0 =	simm.s32 @p2 $0x1  }
0x17: {  	s4 =	simm.s32 $0x1BF5;
	[smem:$0x3FBA] =	sst s0  }
0x18: {  	s0 =	sld [smem:$0x3F9D];
	_ =	swait.ge [sflag:s4], $0x0  }
0x19: {  	s7 =	sld [smem:$0x3F9E]  }
0x1a: {  	s8 =	sadd.s32 $0xFFFFE003, lr  }
0x1b: {  	s9 =	sadd.s32 $0xFFFFFEF7, lr;
	s5 =	simm.s32 $0xFFFFFFFF;
	p2 =	slt.u32 s8, $0xFFFFF086  }
0x1c: {  	p1 =	slt.u32 s9, $0xF7A;
	s5 =	simm.s32 @!p2 $0x0  }
0x1d: {  	s5 =	simm.s32 @p1 $0x1;
	p0 =	seq.s32 s7, s2  }
0x1e: {  	s7 =	smul.u32 @!p0 $0xF7A, s2;
	p2 =	seq.s32 @!p0 s5, $0x0  }
0x1f: {  	s9 =	smul.u32 $0xF7A, s1;
	s8 =	simm.s32 @!p0 $0x1BF5;
	p2 =	por !p2, p0  }
0x20: {  	[sflag:s8] =	ssyncset.s32 @!p0 $0xFFFFF086;
	s6 =	sadd.s32 @!p0 s3, s7;
	s7 =	simm.s32 @!p0 $0x108  }
0x21: {  	s3 =	sadd.s32 s3, s9;
	s6 =	sadd.s32 @!p0 $0x88, s6;
	s7 =	simm.s32 @p2 $0x1082  }
0x22: {  	[simem:s7], [sflag:s8] =	dma.local @!p0 [hbm:s6], $0xF7A  }
0x23: {  	s9 =	sor.u32 $0xD0000000, s2;
	s6 =	simm.s32 $0x108;
	_ =	swait.ge @!p0 [sflag:s8], $0x0  }
0x24: {  	s3 =	sadd.s32 $0x88, s3;
	s6 =	simm.s32 @!p1 $0x1082;
	[sflag:s4] =	ssyncset.s32 $0xFFFFF086  }
0x25: {  	[simem:s6], [sflag:s4] =	dma.local [hbm:s3], $0xF7A  }
0x26: {  	[smem:$0x3F9E] =	sst s1;
	(tag) =	ssettag s2;
	_ =	strace s9  }
0x27: {  	s1 =	sld [smem:$0x3FAE]  }
0x28: {  	s2 =	sld [smem:$0x3FAF]  }
0x29: {  	s4 =	sld [smem:$0x3FB1]  }
0x2a: {  	p0 =	seq.s32 s5, $0x0;
	s5 =	sld [smem:$0x3FB2]  }
0x2b: {  	s6 =	sld [smem:$0x3FB3]  }
0x2c: {  	s7 =	sld [smem:$0x3FB4]  }
0x2d: {  	s3 =	simm.s32 $0x108;
	s8 =	sld [smem:$0x3FB5]  }
0x2e: {  	s3 =	simm.s32 @!p0 $0x1082;
	s9 =	sld [smem:$0x3FB6]  }
0x2f: {  	lr =	sadd.s32 s0, s3;
	s0 =	sld [smem:$0x3FAD]  }
0x30: {  	s3 =	sld [smem:$0x3FB0]  }
0x31: {  	[smem:$0x3FB9] =	sst s10  }
0x32: {  	s10 =	sld [smem:$0x3FB7];
	_ =	sdelay $0x3  }
0x33: {  	p0 =	seq.s32 s10, $0x1;
	s10 =	sld [smem:$0x3FB9];
	_ =	sdelay $0x3  }
0x34: {  	[smem:$0x3FB9] =	sst s10  }
0x35: {  	s10 =	sld [smem:$0x3FB8];
	_ =	sdelay $0x3  }
0x36: {  	p1 =	seq.s32 s10, $0x1;
	s10 =	sld [smem:$0x3FB9];
	_ =	sdelay $0x3  }
0x37: {  	[smem:$0x3FB9] =	sst s10  }
0x38: {  	s10 =	sld [smem:$0x3FBA]  }
0x39: {  	_ = 	snop;
	(pc) =	sbr.ind lr, $3  }
0x3a: {  	_ = 	snop  }
0x3b: {  	_ = 	snop  }
0x3c: {  	p2 =	seq.s32 s10, $0x1;
	s10 =	sld [smem:$0x3FB9]  }
0x3d: {  	_ =	shalt  }
0x3e: {  	_ =	shalt  }
0x3f: {  	_ =	shalt  }
0x40: {  	_ =	shalt  }
0x41: {  	_ =	shalt  }
0x42: {  	_ =	shalt  }
0x43: {  	_ =	shalt  }
0x44: {  	_ =	shalt  }
0x45: {  	_ =	shalt  }
0x46: {  	_ =	shalt  }
0x47: {  	_ =	shalt  }
0x48: {  	_ =	shalt  }
0x49: {  	_ =	shalt  }
0x4a: {  	_ =	shalt  }
0x4b: {  	_ =	shalt  }
0x4c: {  	_ =	shalt  }
0x4d: {  	_ =	shalt  }
0x4e: {  	_ =	shalt  }
0x4f: {  	_ =	shalt  }
0x50: {  	_ =	shalt  }
0x51: {  	_ =	shalt  }
0x52: {  	_ =	shalt  }
0x53: {  	_ =	shalt  }
0x54: {  	_ =	shalt  }
0x55: {  	_ =	shalt  }
0x56: {  	_ =	shalt  }
0x57: {  	_ =	shalt  }
0x58: {  	_ =	shalt  }
0x59: {  	_ =	shalt  }
0x5a: {  	_ =	shalt  }
0x5b: {  	_ =	shalt  }
0x5c: {  	_ =	shalt  }
0x5d: {  	_ =	shalt  }
0x5e: {  	_ =	shalt  }
0x5f: {  	_ =	shalt  }
0x60: {  	_ =	shalt  }
0x61: {  	_ =	shalt  }
0x62: {  	_ =	shalt  }
0x63: {  	_ =	shalt  }
0x64: {  	_ =	shalt  }
0x65: {  	_ =	shalt  }
0x66: {  	_ =	shalt  }
0x67: {  	_ =	shalt  }
0x68: {  	_ =	shalt  }
0x69: {  	_ =	shalt  }
0x6a: {  	_ =	shalt  }
0x6b: {  	_ =	shalt  }
0x6c: {  	_ =	shalt  }
0x6d: {  	_ =	shalt  }
0x6e: {  	_ =	shalt  }
0x6f: {  	_ =	shalt  }
0x70: {  	_ =	shalt  }
0x71: {  	_ =	shalt  }
0x72: {  	_ =	shalt  }
0x73: {  	_ =	shalt  }
0x74: {  	_ =	shalt  }
0x75: {  	_ =	shalt  }
0x76: {  	_ =	shalt  }
0x77: {  	_ =	shalt  }
0x78: {  	_ =	shalt  }
0x79: {  	_ =	shalt  }
0x7a: {  	_ =	shalt  }
0x7b: {  	_ =	shalt  }
0x7c: {  	_ =	shalt  }
0x7d: {  	_ =	shalt  }
0x7e: {  	_ =	shalt  }
0x7f: {  	_ =	shalt  }
0x80: {  	_ =	shalt  }
0x81: {  	_ =	shalt  }
0x82: {  	_ =	shalt  }
0x83: {  	_ =	shalt  }
0x84: {  	_ =	shalt  }
0x85: {  	_ =	shalt  }
0x86: {  	_ =	shalt  }
0x87: {  	_ =	shalt  }
.Lfunc_end0:
.L_simem_size_0:
called_computation_lowered:
.L_overlay_start_0:
0x88: {  	s2 =	sld [smem:$0x3FD9]  }
0x89: {  	s3 =	sld [smem:$0x3FFE];
	_ =	sdelay $0x1  }
0x8a: {  	s1 =	srdreg.scid  }
0x8b: {  	s0 =	sand.u32 $0x1, s1  }
0x8c: {  	s18 =	sshll.u32 s0, $0xA;
	s2 =	sadd.s32 s3, s2  }
0x8d: {  	s2 =	sadd.s32 s2, s18  }
0x8e: {  	[smem:$0x3FC5] =	sst s2  }
0x8f: {  	_ = 	snop  }
0x90: {  	s2 =	sld [smem:$0x3FC9]  }
0x91: {  	s19 =	sld [smem:$0x3FC8]  }
0x92: {  	s4 =	sld [smem:$0x3FC7]  }
0x93: {  	s5 =	sld [smem:$0x3FD0];
	(tm) =	ssettm $0x1  }
0x94: {  	s6 =	sld [smem:$0x3FFB];
	_ =	sdelay $0x3  }
0x95: {  	_ =	strace s6  }
0x96: {  	s6 =	sld [smem:$0x3FFC];
	_ =	sdelay $0x3  }
0x97: {  	_ =	strace s6  }
0x98: {  	s6 =	sld [smem:$0x3FFD];
	_ =	sdelay $0x3  }
0x99: {  	_ =	strace s6  }
0x9a: {  	_ =	strace $0x8FFFFFFF  }
0x9b: {  	s20 =	sld [smem:$0x3FDB];
	_ =	sdelay $0x1  }
0x9c: {  	s7 =	simm.s32 $_scs_section_size  }
0x9d: {  	s8 =	simm.s32 $_size__tile_overlayer_lowered;
	s9 =	simm.s32 $_tile_overlayer_lowered  }
0x9e: {  	s23 =	simm.s32 $0x1BFF;
	s22 =	sshll.u32 s9, $0x1;
	s6 =	sadd.s32 s7, s20  }
0x9f: {  	s10 =	simm.s32 $0x0;
	s21 =	sshll.u32 s8, $0x1;
	s8 =	sadd.s32 s22, s6  }
0xa0: {  	[timem:s10], [sflag:s23] =	dma.local [hbm:s8], s21  }
0xa1: {  	_ =	swait.ge [sflag:s23], s21  }
0xa2: {  	s7 =	ssub.s32 $0x0, s21;
	[sflag:s23] =	ssyncset.done $0x0  }
0xa3: {  	[sflag:s23] =	ssyncadd.s32 s7;
	_ =	sdelay $0x1  }
0xa4: {  	s24 =	simm.s32 $0x1B8B  }
0xa5: {  	_ =	swait.ge [sflag:s24], $0x1  }
0xa6: {  	[sflag:s24] =	ssyncset.done $0x0  }
0xa7: {  	s25 =	simm.s32 $0x1B8E;
	[sflag:s24] =	ssyncadd.s32 $0xFFFFFFFF  }
0xa8: {  	s26 =	simm.s32 $execute0_lowered;
	[smem:$0x3FD2] =	sst s25  }
0xa9: {  	s7 =	sshll.u32 s26, $0x1;
	_ =	strace $0x80000046;
	[dreg:$0x1] =	wrdreg $0xFFFFFFFF  }
0xaa: {  	s28 =	simm.s32 $_size_execute0_lowered;
	s6 =	sadd.s32 s6, s7;
	[dreg:$0x0] =	wrdreg $0x0  }
0xab: {  	s7 =	sshll.u32 s28, $0x1;
	[dreg:$0x2] =	wrdreg s6  }
0xac: {  	[dreg:$0x3] =	wrdreg s7  }
0xad: {  	[dreg:$0x4] =	wrdreg $0xC0  }
0xae: {  	_ =	task [dreg:s10], $0x5FFFF  }
0xaf: {  	[dreg:$0x1] =	wrdreg $0xFFFFFFFF  }
0xb0: {  	[dreg:$0x0] =	wrdreg $0x60  }
0xb1: {  	[dreg:$0x2] =	wrdreg s2  }
0xb2: {  	[dreg:$0x3] =	wrdreg s19  }
0xb3: {  	[dreg:$0x4] =	wrdreg s4  }
0xb4: {  	[dreg:$0x5] =	wrdreg s5  }
0xb5: {  	[dreg:$0x6] =	wrdreg $0x0  }
0xb6: {  	[dreg:$0x7] =	wrdreg $0x9  }
0xb7: {  	_ =	task.clear_ibuf [dreg:s10], $0x8FFFF;
	_ =	strace $0x90000046  }
0xb8: {  	s29 =	simm.s32 $0x9;
	_ =	strace $0x8000004E  }
0xb9: {  	_ =	swait.ge [sflag:s29], $0x1  }
0xba: {  	[sflag:s29] =	ssyncadd.s32 $0xFFFFFFFF  }
0xbb: {  	_ =	strace $0x9000004E  }
0xbc: {  	_ =	sfence  }
0xbd: {  	s30 =	sld [smem:$0x0];
	_ =	sdelay $0x2  }
0xbe: {  	s31 =	sshll.u32 s1, $0xD;
	s1 =	sshrl.u32 s1, $0x2  }
0xbf: {  	s3 =	sand.u32 $0x4000, s31;
	s1 =	sadd.s32 s1, s30  }
0xc0: {  	s0 =	sor.u32 s3, s0;
	s1 =	sshll.u32 s1, $0x11  }
0xc1: {  	s0 =	sor.u32 s1, s0  }
0xc2: {  	s0 =	sadd.s32 $0x8F2B, s0  }
0xc3: {  	[sflag:s0] =	ssyncadd.remote.s32 $0x1  }
0xc4: {  	_ =	sfence.sel $0xFFFF  }
0xc5: {  	[dreg:$0x0] =	wrdreg $0xFFFFFFFF;
	(pc) =	sbr.abs _section_cstart, $3  }
0xc6: {  	[dreg:$0x1] =	wrdreg $0xFFFFFFFF  }
0xc7: {  	_ =	task.clear_ibuf [dreg:s10], $0x2FFFF;
	_ =	strace $0x9FFFFFFF  }
0xc8: {  	(tm) =	ssettm $0x7FFFFFFF  }
0xc9: {  	_ =	shalt  }
tec
execute0_lowered:
.L_overlay_start_1:
0x0: {  	(tag) =	ssettag $0x1  }
0x1: {  	s1 =	rddreg [dreg:$0x0]  }
0x2: {  	s12 =	rddreg [dreg:$0x1]  }
0x3: {  	s13 =	rddreg [dreg:$0x2]  }
0x4: {  	s14 =	rddreg [dreg:$0x3]  }
0x5: {  	s3 =	rddreg [dreg:$0x4]  }
0x6: {  	s0 =	rddreg [dreg:$0x5]  }
0x7: {  	s5 =	srdreg.scid;
	s4 =	simm.s32 $0x0;
	s2 =	stileid.u32  }
0x8: {  	s18 =	simm.s32 $0x13C00;
	s19 =	simm.s32 $0x15000;
	s20 =	simm.s32 $0x80  }
0x9: {  	s21 =	simm.s32 $0x13C80;
	s22 =	simm.s32 $0x1A400;
	s23 =	simm.s32 $0x1  }
0xa: {  	s24 =	simm.s32 $0x2;
	s25 =	simm.s32 $0x16300;
	s26 =	simm.s32 $0x16380  }
0xb: {  	s6 =	sand.u32 $0x1, s5;
	[smem:$0x7FF] =	sst s4;
	s7 =	smul.u32 $0x4F000, s2  }
0xc: {  	s16 =	smul.u32 $0x13C00, s2;
	s5 =	sshll.u32 s6, $0x4;
	_ =	strace $0x80000047  }
0xd: {  	s8 =	ssub.s32 $0x2, s6;
	s11 =	smul.u32 $0x13C000, s6;
	s5 =	sor.u32 s2, s5  }
0xe: {  	s7 =	sshrl.u32 s7, $0x2;
	s10 =	sshrl.u32 s8, $0x1;
	s9 =	smul.u32 $0x2800, s5  }
0xf: {  	s5 =	sadd.s32 s7, s3;
	s15 =	ssub.s32 s8, s10;
	s16 =	sadd.s32 s16, s11  }
0x10: {  	s6 =	sadd.s32 $0x4000, s5;
	s7 =	sadd.s32 $0x8000, s5;
	s8 =	sadd.s32 $0xC000, s5  }
0x11: {  	s16 =	sshrl.u32 s16, $0x3;
	s15 =	smax.u32 s15, $0x1;
	s17 =	sshrl.u32 s9, $0x3  }
0x12: {  	s9 =	sadd.s32 $0x10000, s5;
	s14 =	sadd.s32 s14, s16;
	s16 =	simm.s32 $0x16400  }
0x13: {  	s10 =	sadd.s32 s12, s17;
	s11 =	sadd.s32 s13, s17;
	s17 =	sadd.s32 $0x280, s17  }
0x14: {  	v0 =	vimm.f32 $0.0e+00;
	s12 =	sadd.s32 s12, s17;
	s13 =	sadd.s32 s13, s17;
	s17 =	simm.s32 $0x3  }
.LBB2_1:
0x15: {  	_ =	strace $0x80000048;
	s28 =	simm.s32 $0x0;
	s29 =	simm.s32 $0x200  }
.LBB2_2:
0x16: {  	p0 =	sne.s32 s29, $0xFE00;
	[tilespmem:s28+$0x16470] =	vst v0  }
0x17: {  	[tilespmem:s28+$0x16400] =	vst v0  }
0x18: {  	[tilespmem:s28+$0x16410] =	vst v0  }
.Ltmp0:
0x19: {  	[tilespmem:s28+$0x16420] =	vst v0;
	(pc) =	sbr.rel @p0 .LBB2_2-.Ltmp0, $4  }
0x1a: {  	[tilespmem:s28+$0x16430] =	vst v0  }
0x1b: {  	[tilespmem:s28+$0x16440] =	vst v0  }
0x1c: {  	[tilespmem:s28+$0x16450] =	vst v0  }
0x1d: {  	[tilespmem:s28+$0x16460] =	vst v0;
	s28 =	sshra.s32 s29, $0x2;
	s29 =	sadd.s32 $0x200, s29  }
0x1e: {  	[tilespmem:s28+$0x16470] =	vst v0  }
0x1f: {  	[tilespmem:s28+$0x16400] =	vst v0  }
0x20: {  	[tilespmem:s28+$0x16410] =	vst v0  }
0x21: {  	[tilespmem:s28+$0x16420] =	vst v0  }
0x22: {  	[tilespmem:s28+$0x16430] =	vst v0  }
0x23: {  	[tilespmem:s28+$0x16440] =	vst v0  }
0x24: {  	[tilespmem:s28+$0x16450] =	vst v0  }
0x25: {  	[tilespmem:s28+$0x16460] =	vst v0  }
0x26: {  	_ =	strace $0x90000048  }
0x27: {  	[spmem:s5] =	stream.linear.scatter [tilespmem:s16], [sflag:$0x3], $0x4000, $0x38;
	[tilespmem:$0x1E400] =	vst v63  }
0x28: {  	_ =	swait.ge [sflag:s17], $0x4000  }
0x29: {  	[sflag:s17] =	ssyncset.done $0x0  }
0x2a: {  	[sflag:s17] =	ssyncadd.s32 $0xFFFFC000  }
0x2b: {  	[spmem:s6] =	stream.linear.scatter [tilespmem:s16], [sflag:$0x3], $0x4000, $0x38;
	[tilespmem:$0x1E400] =	vst v63  }
0x2c: {  	_ =	swait.ge [sflag:s17], $0x4000  }
0x2d: {  	[sflag:s17] =	ssyncset.done $0x0  }
0x2e: {  	[sflag:s17] =	ssyncadd.s32 $0xFFFFC000  }
0x2f: {  	[spmem:s7] =	stream.linear.scatter [tilespmem:s16], [sflag:$0x3], $0x4000, $0x38;
	[tilespmem:$0x1E400] =	vst v63  }
0x30: {  	_ =	swait.ge [sflag:s17], $0x4000  }
0x31: {  	[sflag:s17] =	ssyncset.done $0x0  }
0x32: {  	[sflag:s17] =	ssyncadd.s32 $0xFFFFC000  }
0x33: {  	[spmem:s8] =	stream.linear.scatter [tilespmem:s16], [sflag:$0x3], $0x4000, $0x38;
	[tilespmem:$0x1E400] =	vst v63  }
0x34: {  	_ =	swait.ge [sflag:s17], $0x4000  }
0x35: {  	[sflag:s17] =	ssyncset.done $0x0  }
0x36: {  	[sflag:s17] =	ssyncadd.s32 $0xFFFFC000  }
0x37: {  	[spmem:s9] =	stream.linear.scatter [tilespmem:s16], [sflag:$0x3], $0x3C00, $0x38;
	[tilespmem:$0x1E400] =	vst v63  }
0x38: {  	_ =	swait.ge [sflag:s17], $0x3C00  }
0x39: {  	[sflag:s17] =	ssyncset.done $0x0  }
0x3a: {  	[sflag:s17] =	ssyncadd.s32 $0xFFFFC400  }
0x3b: {  	_ =	strace $0x80000049  }
0x3c: {  	[bflag:$0x0] =	sbarrier.arrive $0xFFFF  }
0x3d: {  	s28 =	simm.s32 $0x0;
	_ =	strace $0x90000049  }
0x3e: {  	[tilespmem:s18], [sflag:$0x3] =	stream.linear.gather [hbm4b:s10+s28], $0x1400, $0x38;
	[tilespmem:$0x1E400] =	vst v63  }
0x3f: {  	_ =	swait.ge [sflag:s17], $0x1400  }
0x40: {  	[sflag:s17] =	ssyncset.done $0x0  }
0x41: {  	[sflag:s17] =	ssyncadd.s32 $0xFFFFEC00  }
0x42: {  	[tilespmem:s19], [sflag:$0x3] =	stream.linear.gather [hbm4b:s11+s28], $0x1400, $0x38;
	[tilespmem:$0x1E400] =	vst v63  }
0x43: {  	_ =	swait.ge [sflag:s17], $0x1400  }
0x44: {  	[sflag:s17] =	ssyncset.done $0x0  }
0x45: {  	[sflag:s17] =	ssyncadd.s32 $0xFFFFEC00  }
0x46: {  	[tilespmem:s16], [sflag:$0x1] =	stream.indirect.gather [hbm4b:s1+s20], $0x80, s18, s20, $0xb8;
	[tilespmem:$0x1E400] =	vst v63  }
0x47: {  	_ = 	snop  }
0x48: {  	[tilespmem:s22], [sflag:$0x2] =	stream.indirect.gather [hbm4b:s1+s20], $0x80, s21, s20, $0xb8;
	[tilespmem:$0x1E400] =	vst v63  }
0x49: {  	_ =	strace $0x8000004A  }
0x4a: {  	_ =	swait.ge [sflag:s23], $0x4000  }
0x4b: {  	[sflag:s23] =	ssyncset.done $0x0  }
0x4c: {  	s28 =	simm.s32 $0x15000;
	[sflag:s23] =	ssyncadd.s32 $0xFFFFC000  }
0x4d: {  	[spmem:s3] =	stream.indirect.scatter.add.f32 [tilespmem:s16], [sflag:$0x3], $0x80, s28, s20, $0x2000b8;
	[tilespmem:$0x1E400] =	vst v63  }
0x4e: {  	_ =	swait.ge [sflag:s17], $0x4000  }
0x4f: {  	[sflag:s17] =	ssyncset.done $0x0  }
0x50: {  	s28 =	simm.s32 $0x13D00;
	[sflag:s17] =	ssyncadd.s32 $0xFFFFC000  }
0x51: {  	[tilespmem:s16], [sflag:$0x1] =	stream.indirect.gather [hbm4b:s1+s20], $0x80, s28, s20, $0x2000b8;
	[tilespmem:$0x1E400] =	vst v63  }
0x52: {  	_ =	swait.ge [sflag:s24], $0x4000  }
0x53: {  	[sflag:s24] =	ssyncset.done $0x0  }
0x54: {  	s28 =	simm.s32 $0x15080;
	[sflag:s24] =	ssyncadd.s32 $0xFFFFC000  }
0x55: {  	[spmem:s3] =	stream.indirect.scatter.add.f32 [tilespmem:s22], [sflag:$0x3], $0x80, s28, s20, $0x2000b8;
	[tilespmem:$0x1E400] =	vst v63  }
0x56: {  	_ =	swait.ge [sflag:s17], $0x4000  }
0x57: {  	[sflag:s17] =	ssyncset.done $0x0  }
0x58: {  	s29 =	simm.s32 $0x13D80;
	s28 =	simm.s32 $0x400;
	[sflag:s17] =	ssyncadd.s32 $0xFFFFC000  }
.LBB2_4:
0x59: {  	[tilespmem:s22], [sflag:$0x2] =	stream.indirect.gather [hbm4b:s1+s20], $0x80, s29, s20, $0x2000b8;
	[tilespmem:$0x1E400] =	vst v63  }
0x5a: {  	s29 =	smov.u32 s28  }
0x5b: {  	p0 =	sne.s32 s28, $0x4800;
	s28 =	sadd.s32 $0x400, s28;
	_ =	swait.ge [sflag:s23], $0x4000  }
0x5c: {  	s29 =	sshra.s32 s29, $0x2;
	[sflag:s23] =	ssyncset.done $0x0  }
0x5d: {  	s30 =	sadd.s32 $0x15000, s29;
	[sflag:s23] =	ssyncadd.s32 $0xFFFFC000  }
0x5e: {  	[spmem:s3] =	stream.indirect.scatter.add.f32 [tilespmem:s16], [sflag:$0x3], $0x80, s30, s20, $0x2000b8;
	[tilespmem:$0x1E400] =	vst v63  }
0x5f: {  	_ =	swait.ge [sflag:s17], $0x4000  }
0x60: {  	[sflag:s17] =	ssyncset.done $0x0  }
0x61: {  	s30 =	sadd.s32 $0x13D00, s29;
	[sflag:s17] =	ssyncadd.s32 $0xFFFFC000  }
0x62: {  	[tilespmem:s16], [sflag:$0x1] =	stream.indirect.gather [hbm4b:s1+s20], $0x80, s30, s20, $0x2000b8;
	[tilespmem:$0x1E400] =	vst v63  }
0x63: {  	_ =	swait.ge [sflag:s24], $0x4000  }
0x64: {  	[sflag:s24] =	ssyncset.done $0x0  }
.Ltmp1:
0x65: {  	s30 =	sadd.s32 $0x15080, s29;
	[sflag:s24] =	ssyncadd.s32 $0xFFFFC000;
	(pc) =	sbr.rel @p0 .LBB2_4-.Ltmp1, $4  }
0x66: {  	[spmem:s3] =	stream.indirect.scatter.add.f32 [tilespmem:s22], [sflag:$0x3], $0x80, s30, s20, $0x2000b8;
	[tilespmem:$0x1E400] =	vst v63  }
0x67: {  	_ =	swait.ge [sflag:s17], $0x4000  }
0x68: {  	[sflag:s17] =	ssyncset.done $0x0  }
0x69: {  	s29 =	sadd.s32 $0x13D80, s29;
	[sflag:s17] =	ssyncadd.s32 $0xFFFFC000  }
0x6a: {  	[tilespmem:s22], [sflag:$0x2] =	stream.indirect.gather [hbm4b:s1+s20], $0x80, s29, s20, $0x2000b8;
	[tilespmem:$0x1E400] =	vst v63  }
0x6b: {  	_ =	swait.ge [sflag:s23], $0x4000  }
0x6c: {  	[sflag:s23] =	ssyncset.done $0x0  }
0x6d: {  	[sflag:s23] =	ssyncadd.s32 $0xFFFFC000  }
0x6e: {  	[spmem:s3] =	stream.indirect.scatter.add.f32 [tilespmem:s16], [sflag:$0x3], $0x80, s25, s20, $0x2000b8;
	[tilespmem:$0x1E400] =	vst v63  }
0x6f: {  	_ =	swait.ge [sflag:s17], $0x4000  }
0x70: {  	[sflag:s17] =	ssyncset.done $0x0  }
0x71: {  	[sflag:s17] =	ssyncadd.s32 $0xFFFFC000  }
0x72: {  	_ =	swait.ge [sflag:s24], $0x4000  }
0x73: {  	[sflag:s24] =	ssyncset.done $0x0  }
0x74: {  	[sflag:s24] =	ssyncadd.s32 $0xFFFFC000  }
0x75: {  	[spmem:s3] =	stream.indirect.scatter.add.f32 [tilespmem:s22], [sflag:$0x3], $0x80, s26, s20, $0x2000b8;
	[tilespmem:$0x1E400] =	vst v63  }
0x76: {  	_ =	swait.ge [sflag:s17], $0x4000  }
0x77: {  	[sflag:s17] =	ssyncset.done $0x0  }
0x78: {  	[sflag:s17] =	ssyncadd.s32 $0xFFFFC000  }
0x79: {  	s28 =	simm.s32 $0x0;
	_ =	strace $0x9000004A  }
0x7a: {  	[tilespmem:s18], [sflag:$0x3] =	stream.linear.gather [hbm4b:s12+s28], $0x1400, $0x38;
	[tilespmem:$0x1E400] =	vst v63  }
0x7b: {  	_ =	swait.ge [sflag:s17], $0x1400  }
0x7c: {  	[sflag:s17] =	ssyncset.done $0x0  }
0x7d: {  	[sflag:s17] =	ssyncadd.s32 $0xFFFFEC00  }
0x7e: {  	[tilespmem:s19], [sflag:$0x3] =	stream.linear.gather [hbm4b:s13+s28], $0x1400, $0x38;
	[tilespmem:$0x1E400] =	vst v63  }
0x7f: {  	_ =	swait.ge [sflag:s17], $0x1400  }
0x80: {  	[sflag:s17] =	ssyncset.done $0x0  }
0x81: {  	[sflag:s17] =	ssyncadd.s32 $0xFFFFEC00  }
0x82: {  	[tilespmem:s16], [sflag:$0x1] =	stream.indirect.gather [hbm4b:s1+s20], $0x80, s18, s20, $0xb8;
	[tilespmem:$0x1E400] =	vst v63  }
0x83: {  	_ = 	snop  }
0x84: {  	[tilespmem:s22], [sflag:$0x2] =	stream.indirect.gather [hbm4b:s1+s20], $0x80, s21, s20, $0xb8;
	[tilespmem:$0x1E400] =	vst v63  }
0x85: {  	_ =	strace $0x8000004B  }
0x86: {  	_ =	swait.ge [sflag:s23], $0x4000  }
0x87: {  	[sflag:s23] =	ssyncset.done $0x0  }
0x88: {  	s28 =	simm.s32 $0x15000;
	[sflag:s23] =	ssyncadd.s32 $0xFFFFC000  }
0x89: {  	[spmem:s3] =	stream.indirect.scatter.add.f32 [tilespmem:s16], [sflag:$0x3], $0x80, s28, s20, $0x2000b8;
	[tilespmem:$0x1E400] =	vst v63  }
0x8a: {  	_ =	swait.ge [sflag:s17], $0x4000  }
0x8b: {  	[sflag:s17] =	ssyncset.done $0x0  }
0x8c: {  	s28 =	simm.s32 $0x13D00;
	[sflag:s17] =	ssyncadd.s32 $0xFFFFC000  }
0x8d: {  	[tilespmem:s16], [sflag:$0x1] =	stream.indirect.gather [hbm4b:s1+s20], $0x80, s28, s20, $0x2000b8;
	[tilespmem:$0x1E400] =	vst v63  }
0x8e: {  	_ =	swait.ge [sflag:s24], $0x4000  }
0x8f: {  	[sflag:s24] =	ssyncset.done $0x0  }
0x90: {  	s28 =	simm.s32 $0x15080;
	[sflag:s24] =	ssyncadd.s32 $0xFFFFC000  }
0x91: {  	[spmem:s3] =	stream.indirect.scatter.add.f32 [tilespmem:s22], [sflag:$0x3], $0x80, s28, s20, $0x2000b8;
	[tilespmem:$0x1E400] =	vst v63  }
0x92: {  	_ =	swait.ge [sflag:s17], $0x4000  }
0x93: {  	[sflag:s17] =	ssyncset.done $0x0  }
0x94: {  	s29 =	simm.s32 $0x13D80;
	s28 =	simm.s32 $0x400;
	[sflag:s17] =	ssyncadd.s32 $0xFFFFC000  }
.LBB2_6:
0x95: {  	[tilespmem:s22], [sflag:$0x2] =	stream.indirect.gather [hbm4b:s1+s20], $0x80, s29, s20, $0x2000b8;
	[tilespmem:$0x1E400] =	vst v63  }
0x96: {  	s29 =	smov.u32 s28  }
0x97: {  	p0 =	sne.s32 s28, $0x4800;
	s28 =	sadd.s32 $0x400, s28;
	_ =	swait.ge [sflag:s23], $0x4000  }
0x98: {  	s29 =	sshra.s32 s29, $0x2;
	[sflag:s23] =	ssyncset.done $0x0  }
0x99: {  	s30 =	sadd.s32 $0x15000, s29;
	[sflag:s23] =	ssyncadd.s32 $0xFFFFC000  }
0x9a: {  	[spmem:s3] =	stream.indirect.scatter.add.f32 [tilespmem:s16], [sflag:$0x3], $0x80, s30, s20, $0x2000b8;
	[tilespmem:$0x1E400] =	vst v63  }
0x9b: {  	_ =	swait.ge [sflag:s17], $0x4000  }
0x9c: {  	[sflag:s17] =	ssyncset.done $0x0  }
0x9d: {  	s30 =	sadd.s32 $0x13D00, s29;
	[sflag:s17] =	ssyncadd.s32 $0xFFFFC000  }
0x9e: {  	[tilespmem:s16], [sflag:$0x1] =	stream.indirect.gather [hbm4b:s1+s20], $0x80, s30, s20, $0x2000b8;
	[tilespmem:$0x1E400] =	vst v63  }
0x9f: {  	_ =	swait.ge [sflag:s24], $0x4000  }
0xa0: {  	[sflag:s24] =	ssyncset.done $0x0  }
.Ltmp2:
0xa1: {  	s30 =	sadd.s32 $0x15080, s29;
	[sflag:s24] =	ssyncadd.s32 $0xFFFFC000;
	(pc) =	sbr.rel @p0 .LBB2_6-.Ltmp2, $4  }
0xa2: {  	[spmem:s3] =	stream.indirect.scatter.add.f32 [tilespmem:s22], [sflag:$0x3], $0x80, s30, s20, $0x2000b8;
	[tilespmem:$0x1E400] =	vst v63  }
0xa3: {  	_ =	swait.ge [sflag:s17], $0x4000  }
0xa4: {  	[sflag:s17] =	ssyncset.done $0x0  }
0xa5: {  	s29 =	sadd.s32 $0x13D80, s29;
	[sflag:s17] =	ssyncadd.s32 $0xFFFFC000  }
0xa6: {  	[tilespmem:s22], [sflag:$0x2] =	stream.indirect.gather [hbm4b:s1+s20], $0x80, s29, s20, $0x2000b8;
	[tilespmem:$0x1E400] =	vst v63  }
0xa7: {  	_ =	swait.ge [sflag:s23], $0x4000  }
0xa8: {  	[sflag:s23] =	ssyncset.done $0x0  }
0xa9: {  	[sflag:s23] =	ssyncadd.s32 $0xFFFFC000  }
0xaa: {  	[spmem:s3] =	stream.indirect.scatter.add.f32 [tilespmem:s16], [sflag:$0x3], $0x80, s25, s20, $0x2000b8;
	[tilespmem:$0x1E400] =	vst v63  }
0xab: {  	_ =	swait.ge [sflag:s17], $0x4000  }
0xac: {  	[sflag:s17] =	ssyncset.done $0x0  }
0xad: {  	[sflag:s17] =	ssyncadd.s32 $0xFFFFC000  }
0xae: {  	_ =	swait.ge [sflag:s24], $0x4000  }
0xaf: {  	[sflag:s24] =	ssyncset.done $0x0  }
0xb0: {  	[sflag:s24] =	ssyncadd.s32 $0xFFFFC000  }
0xb1: {  	[spmem:s3] =	stream.indirect.scatter.add.f32 [tilespmem:s22], [sflag:$0x3], $0x80, s26, s20, $0x2000b8;
	[tilespmem:$0x1E400] =	vst v63  }
0xb2: {  	_ =	swait.ge [sflag:s17], $0x4000  }
0xb3: {  	[sflag:s17] =	ssyncset.done $0x0  }
0xb4: {  	[sflag:s17] =	ssyncadd.s32 $0xFFFFC000  }
0xb5: {  	_ =	strace $0x9000004B  }
0xb6: {  	_ =	strace $0x8000004C  }
0xb7: {  	s28 =	sshll.u32 s2, $0x6;
	[bflag:$0x0] =	sbarrier.arrive $0xFFFF  }
0xb8: {  	s31 =	sshrl.u32 s5, $0x3;
	s4 =	sadd.s32 $0x1, s4;
	_ =	strace $0x9000004C  }
0xb9: {  	s28 =	sor.u32 $0x1C03, s28;
	p0 =	sne.s32 s4, s15;
	_ =	strace $0x8000004D  }
0xba: {  	[hbm:s14], [sflag:s28] =	dma.local [spmem:s31], $0x2780  }
.Ltmp3:
0xbb: {  	_ = 	snop;
	(pc) =	sbr.rel @p0 .LBB2_1-.Ltmp3, $4  }
0xbc: {  	_ =	swait.ge [sflag:s17], $0x2780  }
0xbd: {  	[sflag:s17] =	ssyncset.done $0x0  }
0xbe: {  	[sflag:s17] =	ssyncadd.s32 $0xFFFFD880  }
0xbf: {  	_ =	strace $0x9000004D  }
0xc0: {  	_ =	sfence.sel $0x180000  }
0xc1: {  	[bflag:$0x0] =	sbarrier.arrive $0xFFFF  }
0xc2: {  	p0 =	sne.s32 s2, $0x0;
	_ =	strace $0x90000047  }
0xc3: {  	s0 =	sadd.s32 @!p0 $0x100000, s0;
	[bflag:$0x2] =	sbarrier.arrive $0xFFFF  }
0xc4: {  	[sflag:s0] =	ssyncadd.tile.s32 @!p0 $0x1;
	_ =	shalt  }
.Lfunc_end2:
_tile_overlayer_lowered:
.L_overlay_start_2:
0xc5: {  	(tag) =	ssettag $0x2  }
0xc6: {  	s0 =	rddreg [dreg:$0x0];
	s2 =	stileid.u32  }
0xc7: {  	s1 =	rddreg [dreg:$0x1];
	p0 =	sne.s32 s2, $0x0  }
0xc8: {  	s3 =	rddreg [dreg:$0x2];
	[bflag:$0x3] =	sbarrier.arrive $0xFFFF;
	s2 =	simm.s32 @!p0 $0x1C03  }
0xc9: {  	[timem:s3], [sflag:s2] =	dma.local @!p0 [hbm:s0], s1  }
0xca: {  	s0 =	simm.s32 @!p0 $0x3  }
0xcb: {  	_ =	swait.ge @!p0 [sflag:s0], s1  }
0xcc: {  	s1 =	ssub.s32 @!p0 $0x0, s1;
	[sflag:s0] =	ssyncset.done @!p0 $0x0  }
0xcd: {  	[sflag:s0] =	ssyncadd.s32 @!p0 s1  }
0xce: {  	[bflag:$0x3] =	sbarrier.arrive $0xFFFF  }
0xcf: {  	_ =	shalt  }

</sc_bundles>
